<compile_context>
chip_gen: v7x
topology: tpu7x:2x2x1
jax: 0.10.2.dev20260603
libtpu: 0.0.44.dev20260713+nightly
codegen_flags: <defaults>
</compile_context>

<pallas_src>
import functools

import jax
import jax.numpy as jnp
from jax import lax
from jax.experimental import pallas as pl
from jax.experimental.pallas import tpu as pltpu
from jax.experimental.pallas import tpu_sc as plsc

N_ATOMS_C = 320000
D = 128
NSEG = 1024
NC = 2
NS = 16
NW = NC * NS
PER_TILE = N_ATOMS_C // NW
CH = 128
NCHUNK = PER_TILE // CH
TAIL = PER_TILE - NCHUNK * CH
NBUF = 6
ROWS_PER_TILE = NSEG // NS

_mesh = plsc.VectorSubcoreMesh(core_axis_name="c", subcore_axis_name="s")


@functools.partial(
    pl.kernel,
    mesh=_mesh,
    out_type=jax.ShapeDtypeStruct((NC * NSEG, D), jnp.float32),
    scratch_types=(
        [pltpu.VMEM((CH,), jnp.int32) for _ in range(NBUF)]
        + [pltpu.VMEM((CH, D), jnp.float32) for _ in range(NBUF)]
        + [pltpu.VMEM((TAIL,), jnp.int32)]
        + [pltpu.VMEM_SHARED((NSEG, D), jnp.float32)]
        + [pltpu.SemaphoreType.DMA for _ in range(2 * NBUF)]
    ),
)
def _segment_sum_sc(feat_hbm, ids_hbm, out_hbm, *refs):
    ids_bufs = refs[0:NBUF]
    rows_bufs = refs[NBUF:2 * NBUF]
    ids_tail = refs[2 * NBUF]
    acc_sh = refs[2 * NBUF + 1]
    sem_i = refs[2 * NBUF + 2:3 * NBUF + 2]
    sem_r = refs[3 * NBUF + 2:4 * NBUF + 2]
    cid = lax.axis_index("c")
    sid = lax.axis_index("s")
    wid = cid * NS + sid
    base_row = wid * PER_TILE

    def start_load(c, b):
        off = base_row + c * CH
        pltpu.make_async_copy(
            ids_hbm.at[pl.ds(off, CH)], ids_bufs[b], sem_i[b]).start()
        pltpu.make_async_copy(
            feat_hbm.at[pl.ds(off, CH)], rows_bufs[b], sem_r[b]).start()

    def wait_load(b):
        pltpu.make_async_copy(
            ids_hbm.at[pl.ds(0, CH)], ids_bufs[b], sem_i[b]).wait()
        pltpu.make_async_copy(
            feat_hbm.at[pl.ds(0, CH)], rows_bufs[b], sem_r[b]).wait()

    zero16 = jnp.zeros((16,), jnp.float32)

    def zero_body(i, carry):
        r = i // (D // 16)
        j = i % (D // 16)
        rows_bufs[0][r, pl.ds(j * 16, 16)] = zero16
        return carry

    lax.fori_loop(0, ROWS_PER_TILE * (D // 16), zero_body, 0)
    pltpu.sync_copy(rows_bufs[0].at[pl.ds(0, ROWS_PER_TILE)],
                    acc_sh.at[pl.ds(sid * ROWS_PER_TILE, ROWS_PER_TILE)])
    plsc.subcore_barrier()

    for b in range(NBUF):
        start_load(b, b)

    def group_body(i, carry):
        g = i * NBUF
        for b in range(NBUF):
            c = g + b
            wait_load(b)
            pltpu.sync_copy(rows_bufs[b], acc_sh.at[ids_bufs[b]], add=True)
            start_load(jnp.minimum(c + NBUF, NCHUNK - 1), b)
        return carry

    lax.fori_loop(0, NCHUNK // NBUF, group_body, 0)
    for b in range(NBUF):
        wait_load(b)

    tail_off = base_row + NCHUNK * CH
    pltpu.sync_copy(ids_hbm.at[pl.ds(tail_off, TAIL)], ids_tail)
    pltpu.sync_copy(feat_hbm.at[pl.ds(tail_off, TAIL)],
                    rows_bufs[0].at[pl.ds(0, TAIL)])
    pltpu.sync_copy(rows_bufs[0].at[pl.ds(0, TAIL)],
                    acc_sh.at[ids_tail], add=True)
    plsc.subcore_barrier()

    pltpu.sync_copy(
        acc_sh.at[pl.ds(sid * ROWS_PER_TILE, ROWS_PER_TILE)],
        out_hbm.at[pl.ds(cid * NSEG + sid * ROWS_PER_TILE, ROWS_PER_TILE)])


def _add2_body(a_ref, b_ref, o_ref):
    o_ref[...] = a_ref[...] + b_ref[...]


def kernel(atom_features, atom_split):
    ids = atom_split.astype(jnp.int32)
    partial = _segment_sum_sc(atom_features, ids)
    return pl.pallas_call(
        _add2_body,
        out_shape=jax.ShapeDtypeStruct((NSEG, D), jnp.float32),
    )(partial[:NSEG], partial[NSEG:])

# --- scband reference (transcript-rebuilt; emitter-appended) ---
"""Pipeline reference for scband-weave-gather-76063870812665 (READ-ONLY COPY).

The authoritative reference and input builder live on the scoring server;
editing this copy changes nothing except your own understanding.
"""

import jax, jax.numpy as jnp
import numpy as np

N_ATOMS = 320000
N_INPUT = 128
BATCH_SIZE = 1024

def setup_inputs(seed: int = 0) -> dict:
    key = jax.random.key(seed)
    k1, k2 = jax.random.split(key)
    atom_features = jax.random.normal(k1, (N_ATOMS, N_INPUT), dtype=jnp.float32)
    atom_split = jnp.sort(jax.random.randint(k2, (N_ATOMS,), 0, BATCH_SIZE, dtype=jnp.int64))
    return {"atom_features": atom_features, "atom_split": atom_split}

def reference(atom_features, atom_split):
    # WeaveGather with gaussian_expand=False: pure segment-sum pooling of
    # per-atom features into per-molecule features.
    output_molecules = jax.ops.segment_sum(atom_features, atom_split, num_segments=BATCH_SIZE)
    return output_molecules

if __name__ == "__main__":
    import jax
    _d = setup_inputs()
    print(jax.jit(kernel)(*tuple(_d.values())))

</pallas_src>

<mosaic_0001>
#map = affine_map<(d0, d1) -> (0, 0)>
#map1 = affine_map<(d0, d1) -> (0)>
module attributes {stable_mosaic.version = 14 : i64} {
  func.func @_segment_sum_sc(%arg0: i32, %arg1: i32, %arg2: memref<320000x128xf32, #tpu.memory_space<hbm>>, %arg3: memref<320000xi32, #tpu.memory_space<hbm>>, %arg4: memref<2048x128xf32, #tpu.memory_space<hbm>>, %arg5: memref<128xi32, #tpu.memory_space<vmem>>, %arg6: memref<128xi32, #tpu.memory_space<vmem>>, %arg7: memref<128xi32, #tpu.memory_space<vmem>>, %arg8: memref<128xi32, #tpu.memory_space<vmem>>, %arg9: memref<128xi32, #tpu.memory_space<vmem>>, %arg10: memref<128xi32, #tpu.memory_space<vmem>>, %arg11: memref<128x128xf32, #tpu.memory_space<vmem>>, %arg12: memref<128x128xf32, #tpu.memory_space<vmem>>, %arg13: memref<128x128xf32, #tpu.memory_space<vmem>>, %arg14: memref<128x128xf32, #tpu.memory_space<vmem>>, %arg15: memref<128x128xf32, #tpu.memory_space<vmem>>, %arg16: memref<128x128xf32, #tpu.memory_space<vmem>>, %arg17: memref<16xi32, #tpu.memory_space<vmem>>, %arg18: memref<1024x128xf32, #tpu.memory_space<vmem_shared>>, %arg19: memref<!tpu.dma_semaphore, #tpu.memory_space<semaphore_mem>>, %arg20: memref<!tpu.dma_semaphore, #tpu.memory_space<semaphore_mem>>, %arg21: memref<!tpu.dma_semaphore, #tpu.memory_space<semaphore_mem>>, %arg22: memref<!tpu.dma_semaphore, #tpu.memory_space<semaphore_mem>>, %arg23: memref<!tpu.dma_semaphore, #tpu.memory_space<semaphore_mem>>, %arg24: memref<!tpu.dma_semaphore, #tpu.memory_space<semaphore_mem>>, %arg25: memref<!tpu.dma_semaphore, #tpu.memory_space<semaphore_mem>>, %arg26: memref<!tpu.dma_semaphore, #tpu.memory_space<semaphore_mem>>, %arg27: memref<!tpu.dma_semaphore, #tpu.memory_space<semaphore_mem>>, %arg28: memref<!tpu.dma_semaphore, #tpu.memory_space<semaphore_mem>>, %arg29: memref<!tpu.dma_semaphore, #tpu.memory_space<semaphore_mem>>, %arg30: memref<!tpu.dma_semaphore, #tpu.memory_space<semaphore_mem>>) attributes {dimension_semantics = [#tpu.dimension_semantics<core_parallel>, #tpu.dimension_semantics<subcore_parallel>], iteration_bounds = array<i64: 2, 16>, scalar_prefetch = 0 : i64, scratch_operands = 26 : i64, tpu.core_type = #tpu.core_type<sc_vector_subcore>, window_params = [{transform_indices = #map}, {transform_indices = #map1}, {transform_indices = #map}]} {
    %mul3A = arith.constant 16 : i32
    %mul3A_0 = arith.muli %arg0, %mul3A : i32
    %add3A = arith.addi %mul3A_0, %arg1 : i32
    %mul3A_1 = arith.constant 10000 : i32
    %mul3A_2 = arith.muli %add3A, %mul3A_1 : i32
    %broadcast_in_dim3A = arith.constant 0.000000e+00 : f32
    %broadcast_in_dim3A_3 = vector.broadcast %broadcast_in_dim3A : f32 to vector<16xf32>
    %scan3A = arith.constant 0 : i32
    %scan3A_4 = arith.constant 0 : i32
    %scan3A_5 = arith.constant 512 : i32
    %scan3A_6 = arith.addi %scan3A_4, %scan3A_5 : i32
    %scan3A_7 = arith.constant 1 : i32
    scf.for %scan3A_133 = %scan3A_4 to %scan3A_6 step %scan3A_7  : i32 {
      %jit3A = arith.constant 8 : i32
      %div3A = arith.divsi %scan3A_133, %jit3A : i32
      %sign3A = arith.constant 0 : i32
      %sign3A_134 = arith.cmpi sgt, %scan3A_133, %sign3A : i32
      %sign3A_135 = arith.extui %sign3A_134 : i1 to i32
      %sign3A_136 = arith.constant 0 : i32
      %sign3A_137 = arith.cmpi slt, %scan3A_133, %sign3A_136 : i32
      %sign3A_138 = arith.extui %sign3A_137 : i1 to i32
      %sign3A_139 = arith.subi %sign3A_135, %sign3A_138 : i32
      %sign3A_140 = arith.constant 0 : i32
      %sign3A_141 = arith.cmpi sgt, %jit3A, %sign3A_140 : i32
      %sign3A_142 = arith.extui %sign3A_141 : i1 to i32
      %sign3A_143 = arith.constant 0 : i32
      %sign3A_144 = arith.cmpi slt, %jit3A, %sign3A_143 : i32
      %sign3A_145 = arith.extui %sign3A_144 : i1 to i32
      %sign3A_146 = arith.subi %sign3A_142, %sign3A_145 : i32
      %ne3A = arith.cmpi ne, %sign3A_139, %sign3A_146 : i32
      %rem3A = arith.remsi %scan3A_133, %jit3A : i32
      %ne3A_147 = arith.constant 0 : i32
      %ne3A_148 = arith.cmpi ne, %rem3A, %ne3A_147 : i32
      %and3A = arith.andi %ne3A, %ne3A_148 : i1
      %sub3A = arith.constant 1 : i32
      %sub3A_149 = arith.subi %div3A, %sub3A : i32
      %select_n3A = arith.select %and3A, %sub3A_149, %div3A : i32
      %jit3A_150 = arith.constant 8 : i32
      %eq3A = arith.constant 0 : i32
      %eq3A_151 = arith.cmpi eq, %jit3A_150, %eq3A : i32
      %jit3A_152 = arith.constant 1 : i32
      %select_n3A_153 = arith.select %eq3A_151, %jit3A_152, %jit3A_150 : i32
      %rem3A_154 = arith.remsi %scan3A_133, %select_n3A_153 : i32
      %ne3A_155 = arith.constant 0 : i32
      %ne3A_156 = arith.cmpi ne, %rem3A_154, %ne3A_155 : i32
      %lt3A = arith.constant 0 : i32
      %lt3A_157 = arith.cmpi slt, %rem3A_154, %lt3A : i32
      %lt3A_158 = arith.constant 0 : i32
      %lt3A_159 = arith.cmpi slt, %select_n3A_153, %lt3A_158 : i32
      %ne3A_160 = arith.xori %lt3A_157, %lt3A_159 : i1
      %and3A_161 = arith.andi %ne3A_160, %ne3A_156 : i1
      %add3A_162 = arith.addi %rem3A_154, %select_n3A_153 : i32
      %select_n3A_163 = arith.select %and3A_161, %add3A_162, %rem3A_154 : i32
      %mul3A_164 = arith.constant 16 : i32
      %mul3A_165 = arith.muli %select_n3A_163, %mul3A_164 : i32
      %swap3A = arith.index_cast %select_n3A : i32 to index
      %swap3A_166 = arith.index_cast %mul3A_165 : i32 to index
      %swap3A_167 = tpu.vector_load %arg11[%swap3A, %swap3A_166] {strides = array<i32>} : memref<128x128xf32, #tpu.memory_space<vmem>>, vector<1x16xf32>,
      %swap3A_168 = vector.shape_cast %swap3A_167 : vector<1x16xf32> to vector<16xf32>
      %swap3A_169 = vector.shape_cast %broadcast_in_dim3A_3 : vector<16xf32> to vector<1x16xf32>
      tpu.vector_store %arg11[%swap3A, %swap3A_166], %swap3A_169 {strides = array<i32>} : memref<128x128xf32, #tpu.memory_space<vmem>>, vector<1x16xf32>,
    }
    %scan3A_8 = arith.constant 512 : i32
    %mul3A_9 = arith.constant 64 : i32
    %mul3A_10 = arith.muli %arg1, %mul3A_9 : i32
    "tpu.region"() ({
      %run_scoped3A = tpu.sem_alloc : memref<!tpu.dma_semaphore, #tpu.memory_space<semaphore_mem>>
      %dma_start3A_133 = arith.constant 0 : i32
      %dma_start3A_134 = arith.constant 0 : i32
      %dma_start3A_135 = tpu.memref_slice %arg11[%dma_start3A_133, %dma_start3A_134] : memref<128x128xf32, #tpu.memory_space<vmem>> -> memref<64x128xf32, #tpu.memory_space<vmem>>
      %dma_start3A_136 = arith.constant 0 : i32
      %dma_start3A_137 = tpu.memref_slice %arg18[%mul3A_10, %dma_start3A_136] : memref<1024x128xf32, #tpu.memory_space<vmem_shared>> -> memref<64x128xf32, #tpu.memory_space<vmem_shared>>
      %dma_start3A_138 = arith.constant 0 : i32
      %dma_start3A_139 = tpu.memref_slice %arg18[%mul3A_10, %dma_start3A_138] : memref<1024x128xf32, #tpu.memory_space<vmem_shared>> -> memref<64x128xf32, #tpu.memory_space<vmem_shared>>
      %dma_start3A_140 = arith.constant 0 : i32
      %dma_start3A_141 = arith.constant 0 : i32
      %dma_start3A_142 = tpu.memref_slice %arg11[%dma_start3A_140, %dma_start3A_141] : memref<128x128xf32, #tpu.memory_space<vmem>> -> memref<64x128xf32, #tpu.memory_space<vmem>>
      tpu.enqueue_dma source(%dma_start3A_142 : memref<64x128xf32, #tpu.memory_space<vmem>>) target(%dma_start3A_139 : memref<64x128xf32, #tpu.memory_space<vmem_shared>>) target_semaphore(%run_scoped3A : memref<!tpu.dma_semaphore, #tpu.memory_space<semaphore_mem>>)
      %dma_wait3A_143 = arith.constant 0 : i32
      %dma_wait3A_144 = arith.constant 0 : i32
      %dma_wait3A_145 = tpu.memref_slice %arg11[%dma_wait3A_143, %dma_wait3A_144] : memref<128x128xf32, #tpu.memory_space<vmem>> -> memref<64x128xf32, #tpu.memory_space<vmem>>
      %dma_wait3A_146 = arith.constant 0 : i32
      %dma_wait3A_147 = tpu.memref_slice %arg18[%mul3A_10, %dma_wait3A_146] : memref<1024x128xf32, #tpu.memory_space<vmem_shared>> -> memref<64x128xf32, #tpu.memory_space<vmem_shared>>
      %dma_wait3A_148 = arith.constant 0 : i32
      %dma_wait3A_149 = tpu.memref_slice %arg18[%mul3A_10, %dma_wait3A_148] : memref<1024x128xf32, #tpu.memory_space<vmem_shared>> -> memref<64x128xf32, #tpu.memory_space<vmem_shared>>
      %dma_wait3A_150 = arith.constant 0 : i32
      %dma_wait3A_151 = arith.constant 0 : i32
      %dma_wait3A_152 = tpu.memref_slice %arg11[%dma_wait3A_150, %dma_wait3A_151] : memref<128x128xf32, #tpu.memory_space<vmem>> -> memref<64x128xf32, #tpu.memory_space<vmem>>
      tpu.wait_dma2 semaphore(%run_scoped3A : memref<!tpu.dma_semaphore, #tpu.memory_space<semaphore_mem>>) src(%dma_wait3A_152 : memref<64x128xf32, #tpu.memory_space<vmem>>) dst(%dma_wait3A_149 : memref<64x128xf32, #tpu.memory_space<vmem_shared>>)
      tpu.yield
    }) : () -> ()
    %barrier3A = arith.constant 0 : index
    tpu.barrier barrier_id(%barrier3A)
    %add3A_11 = arith.constant 0 : i32
    %add3A_12 = arith.addi %mul3A_2, %add3A_11 : i32
    %dma_start3A = tpu.memref_slice %arg3[%add3A_12] : memref<320000xi32, #tpu.memory_space<hbm>> -> memref<128xi32, #tpu.memory_space<hbm>>
    %dma_start3A_13 = tpu.memref_slice %arg3[%add3A_12] : memref<320000xi32, #tpu.memory_space<hbm>> -> memref<128xi32, #tpu.memory_space<hbm>>
    tpu.enqueue_dma source(%dma_start3A_13 : memref<128xi32, #tpu.memory_space<hbm>>) target(%arg5 : memref<128xi32, #tpu.memory_space<vmem>>) target_semaphore(%arg19 : memref<!tpu.dma_semaphore, #tpu.memory_space<semaphore_mem>>)
    %dma_start3A_14 = arith.constant 0 : i32
    %dma_start3A_15 = tpu.memref_slice %arg2[%add3A_12, %dma_start3A_14] : memref<320000x128xf32, #tpu.memory_space<hbm>> -> memref<128x128xf32, #tpu.memory_space<hbm>>
    %dma_start3A_16 = arith.constant 0 : i32
    %dma_start3A_17 = tpu.memref_slice %arg2[%add3A_12, %dma_start3A_16] : memref<320000x128xf32, #tpu.memory_space<hbm>> -> memref<128x128xf32, #tpu.memory_space<hbm>>
    tpu.enqueue_dma source(%dma_start3A_17 : memref<128x128xf32, #tpu.memory_space<hbm>>) target(%arg11 : memref<128x128xf32, #tpu.memory_space<vmem>>) target_semaphore(%arg25 : memref<!tpu.dma_semaphore, #tpu.memory_space<semaphore_mem>>)
    %add3A_18 = arith.constant 128 : i32
    %add3A_19 = arith.addi %mul3A_2, %add3A_18 : i32
    %dma_start3A_20 = tpu.memref_slice %arg3[%add3A_19] : memref<320000xi32, #tpu.memory_space<hbm>> -> memref<128xi32, #tpu.memory_space<hbm>>
    %dma_start3A_21 = tpu.memref_slice %arg3[%add3A_19] : memref<320000xi32, #tpu.memory_space<hbm>> -> memref<128xi32, #tpu.memory_space<hbm>>
    tpu.enqueue_dma source(%dma_start3A_21 : memref<128xi32, #tpu.memory_space<hbm>>) target(%arg6 : memref<128xi32, #tpu.memory_space<vmem>>) target_semaphore(%arg20 : memref<!tpu.dma_semaphore, #tpu.memory_space<semaphore_mem>>)
    %dma_start3A_22 = arith.constant 0 : i32
    %dma_start3A_23 = tpu.memref_slice %arg2[%add3A_19, %dma_start3A_22] : memref<320000x128xf32, #tpu.memory_space<hbm>> -> memref<128x128xf32, #tpu.memory_space<hbm>>
    %dma_start3A_24 = arith.constant 0 : i32
    %dma_start3A_25 = tpu.memref_slice %arg2[%add3A_19, %dma_start3A_24] : memref<320000x128xf32, #tpu.memory_space<hbm>> -> memref<128x128xf32, #tpu.memory_space<hbm>>
    tpu.enqueue_dma source(%dma_start3A_25 : memref<128x128xf32, #tpu.memory_space<hbm>>) target(%arg12 : memref<128x128xf32, #tpu.memory_space<vmem>>) target_semaphore(%arg26 : memref<!tpu.dma_semaphore, #tpu.memory_space<semaphore_mem>>)
    %add3A_26 = arith.constant 256 : i32
    %add3A_27 = arith.addi %mul3A_2, %add3A_26 : i32
    %dma_start3A_28 = tpu.memref_slice %arg3[%add3A_27] : memref<320000xi32, #tpu.memory_space<hbm>> -> memref<128xi32, #tpu.memory_space<hbm>>
    %dma_start3A_29 = tpu.memref_slice %arg3[%add3A_27] : memref<320000xi32, #tpu.memory_space<hbm>> -> memref<128xi32, #tpu.memory_space<hbm>>
    tpu.enqueue_dma source(%dma_start3A_29 : memref<128xi32, #tpu.memory_space<hbm>>) target(%arg7 : memref<128xi32, #tpu.memory_space<vmem>>) target_semaphore(%arg21 : memref<!tpu.dma_semaphore, #tpu.memory_space<semaphore_mem>>)
    %dma_start3A_30 = arith.constant 0 : i32
    %dma_start3A_31 = tpu.memref_slice %arg2[%add3A_27, %dma_start3A_30] : memref<320000x128xf32, #tpu.memory_space<hbm>> -> memref<128x128xf32, #tpu.memory_space<hbm>>
    %dma_start3A_32 = arith.constant 0 : i32
    %dma_start3A_33 = tpu.memref_slice %arg2[%add3A_27, %dma_start3A_32] : memref<320000x128xf32, #tpu.memory_space<hbm>> -> memref<128x128xf32, #tpu.memory_space<hbm>>
    tpu.enqueue_dma source(%dma_start3A_33 : memref<128x128xf32, #tpu.memory_space<hbm>>) target(%arg13 : memref<128x128xf32, #tpu.memory_space<vmem>>) target_semaphore(%arg27 : memref<!tpu.dma_semaphore, #tpu.memory_space<semaphore_mem>>)
    %add3A_34 = arith.constant 384 : i32
    %add3A_35 = arith.addi %mul3A_2, %add3A_34 : i32
    %dma_start3A_36 = tpu.memref_slice %arg3[%add3A_35] : memref<320000xi32, #tpu.memory_space<hbm>> -> memref<128xi32, #tpu.memory_space<hbm>>
    %dma_start3A_37 = tpu.memref_slice %arg3[%add3A_35] : memref<320000xi32, #tpu.memory_space<hbm>> -> memref<128xi32, #tpu.memory_space<hbm>>
    tpu.enqueue_dma source(%dma_start3A_37 : memref<128xi32, #tpu.memory_space<hbm>>) target(%arg8 : memref<128xi32, #tpu.memory_space<vmem>>) target_semaphore(%arg22 : memref<!tpu.dma_semaphore, #tpu.memory_space<semaphore_mem>>)
    %dma_start3A_38 = arith.constant 0 : i32
    %dma_start3A_39 = tpu.memref_slice %arg2[%add3A_35, %dma_start3A_38] : memref<320000x128xf32, #tpu.memory_space<hbm>> -> memref<128x128xf32, #tpu.memory_space<hbm>>
    %dma_start3A_40 = arith.constant 0 : i32
    %dma_start3A_41 = tpu.memref_slice %arg2[%add3A_35, %dma_start3A_40] : memref<320000x128xf32, #tpu.memory_space<hbm>> -> memref<128x128xf32, #tpu.memory_space<hbm>>
    tpu.enqueue_dma source(%dma_start3A_41 : memref<128x128xf32, #tpu.memory_space<hbm>>) target(%arg14 : memref<128x128xf32, #tpu.memory_space<vmem>>) target_semaphore(%arg28 : memref<!tpu.dma_semaphore, #tpu.memory_space<semaphore_mem>>)
    %add3A_42 = arith.constant 512 : i32
    %add3A_43 = arith.addi %mul3A_2, %add3A_42 : i32
    %dma_start3A_44 = tpu.memref_slice %arg3[%add3A_43] : memref<320000xi32, #tpu.memory_space<hbm>> -> memref<128xi32, #tpu.memory_space<hbm>>
    %dma_start3A_45 = tpu.memref_slice %arg3[%add3A_43] : memref<320000xi32, #tpu.memory_space<hbm>> -> memref<128xi32, #tpu.memory_space<hbm>>
    tpu.enqueue_dma source(%dma_start3A_45 : memref<128xi32, #tpu.memory_space<hbm>>) target(%arg9 : memref<128xi32, #tpu.memory_space<vmem>>) target_semaphore(%arg23 : memref<!tpu.dma_semaphore, #tpu.memory_space<semaphore_mem>>)
    %dma_start3A_46 = arith.constant 0 : i32
    %dma_start3A_47 = tpu.memref_slice %arg2[%add3A_43, %dma_start3A_46] : memref<320000x128xf32, #tpu.memory_space<hbm>> -> memref<128x128xf32, #tpu.memory_space<hbm>>
    %dma_start3A_48 = arith.constant 0 : i32
    %dma_start3A_49 = tpu.memref_slice %arg2[%add3A_43, %dma_start3A_48] : memref<320000x128xf32, #tpu.memory_space<hbm>> -> memref<128x128xf32, #tpu.memory_space<hbm>>
    tpu.enqueue_dma source(%dma_start3A_49 : memref<128x128xf32, #tpu.memory_space<hbm>>) target(%arg15 : memref<128x128xf32, #tpu.memory_space<vmem>>) target_semaphore(%arg29 : memref<!tpu.dma_semaphore, #tpu.memory_space<semaphore_mem>>)
    %add3A_50 = arith.constant 640 : i32
    %add3A_51 = arith.addi %mul3A_2, %add3A_50 : i32
    %dma_start3A_52 = tpu.memref_slice %arg3[%add3A_51] : memref<320000xi32, #tpu.memory_space<hbm>> -> memref<128xi32, #tpu.memory_space<hbm>>
    %dma_start3A_53 = tpu.memref_slice %arg3[%add3A_51] : memref<320000xi32, #tpu.memory_space<hbm>> -> memref<128xi32, #tpu.memory_space<hbm>>
    tpu.enqueue_dma source(%dma_start3A_53 : memref<128xi32, #tpu.memory_space<hbm>>) target(%arg10 : memref<128xi32, #tpu.memory_space<vmem>>) target_semaphore(%arg24 : memref<!tpu.dma_semaphore, #tpu.memory_space<semaphore_mem>>)
    %dma_start3A_54 = arith.constant 0 : i32
    %dma_start3A_55 = tpu.memref_slice %arg2[%add3A_51, %dma_start3A_54] : memref<320000x128xf32, #tpu.memory_space<hbm>> -> memref<128x128xf32, #tpu.memory_space<hbm>>
    %dma_start3A_56 = arith.constant 0 : i32
    %dma_start3A_57 = tpu.memref_slice %arg2[%add3A_51, %dma_start3A_56] : memref<320000x128xf32, #tpu.memory_space<hbm>> -> memref<128x128xf32, #tpu.memory_space<hbm>>
    tpu.enqueue_dma source(%dma_start3A_57 : memref<128x128xf32, #tpu.memory_space<hbm>>) target(%arg16 : memref<128x128xf32, #tpu.memory_space<vmem>>) target_semaphore(%arg30 : memref<!tpu.dma_semaphore, #tpu.memory_space<semaphore_mem>>)
    %scan3A_58 = arith.constant 0 : i32
    %scan3A_59 = arith.constant 0 : i32
    %scan3A_60 = arith.constant 13 : i32
    %scan3A_61 = arith.addi %scan3A_59, %scan3A_60 : i32
    %scan3A_62 = arith.constant 1 : i32
    scf.for %scan3A_133 = %scan3A_59 to %scan3A_61 step %scan3A_62  : i32 {
      %mul3A_134 = arith.constant 6 : i32
      %mul3A_135 = arith.muli %scan3A_133, %mul3A_134 : i32
      %add3A_136 = arith.constant 0 : i32
      %add3A_137 = arith.addi %mul3A_135, %add3A_136 : i32
      %dma_wait3A_138 = arith.constant 0 : i32
      %dma_wait3A_139 = tpu.memref_slice %arg3[%dma_wait3A_138] : memref<320000xi32, #tpu.memory_space<hbm>> -> memref<128xi32, #tpu.memory_space<hbm>>
      %dma_wait3A_140 = arith.constant 0 : i32
      %dma_wait3A_141 = tpu.memref_slice %arg3[%dma_wait3A_140] : memref<320000xi32, #tpu.memory_space<hbm>> -> memref<128xi32, #tpu.memory_space<hbm>>
      tpu.wait_dma2 semaphore(%arg19 : memref<!tpu.dma_semaphore, #tpu.memory_space<semaphore_mem>>) src(%dma_wait3A_141 : memref<128xi32, #tpu.memory_space<hbm>>) dst(%arg5 : memref<128xi32, #tpu.memory_space<vmem>>)
      %dma_wait3A_142 = arith.constant 0 : i32
      %dma_wait3A_143 = arith.constant 0 : i32
      %dma_wait3A_144 = tpu.memref_slice %arg2[%dma_wait3A_142, %dma_wait3A_143] : memref<320000x128xf32, #tpu.memory_space<hbm>> -> memref<128x128xf32, #tpu.memory_space<hbm>>
      %dma_wait3A_145 = arith.constant 0 : i32
      %dma_wait3A_146 = arith.constant 0 : i32
      %dma_wait3A_147 = tpu.memref_slice %arg2[%dma_wait3A_145, %dma_wait3A_146] : memref<320000x128xf32, #tpu.memory_space<hbm>> -> memref<128x128xf32, #tpu.memory_space<hbm>>
      tpu.wait_dma2 semaphore(%arg25 : memref<!tpu.dma_semaphore, #tpu.memory_space<semaphore_mem>>) src(%dma_wait3A_147 : memref<128x128xf32, #tpu.memory_space<hbm>>) dst(%arg11 : memref<128x128xf32, #tpu.memory_space<vmem>>)
      "tpu.region"() ({
        %run_scoped3A = tpu.sem_alloc : memref<!tpu.dma_semaphore, #tpu.memory_space<semaphore_mem>>
        %dma_start3A_285 = arith.constant 0 : i32
        %dma_start3A_286 = arith.constant 0 : i32
        %dma_start3A_287 = tpu.memref_slice %arg18[%dma_start3A_285, %dma_start3A_286] : memref<1024x128xf32, #tpu.memory_space<vmem_shared>> -> memref<1024x128xf32, #tpu.memory_space<vmem_shared>>
        tpu.enqueue_indirect_dma source(%arg11 : memref<128x128xf32, #tpu.memory_space<vmem>>) target(%dma_start3A_287 : memref<1024x128xf32, #tpu.memory_space<vmem_shared>>) offsets(%arg5 : memref<128xi32, #tpu.memory_space<vmem>>) semaphore(%run_scoped3A : memref<!tpu.dma_semaphore, #tpu.memory_space<semaphore_mem>>) {add = true}
        %dma_wait3A_288 = arith.constant 0 : i32
        %dma_wait3A_289 = arith.constant 0 : i32
        %dma_wait3A_290 = tpu.memref_slice %arg18[%dma_wait3A_288, %dma_wait3A_289] : memref<1024x128xf32, #tpu.memory_space<vmem_shared>> -> memref<1024x128xf32, #tpu.memory_space<vmem_shared>>
        tpu.wait_indirect_dma semaphore(%run_scoped3A : memref<!tpu.dma_semaphore, #tpu.memory_space<semaphore_mem>>) src(%arg11 : memref<128x128xf32, #tpu.memory_space<vmem>>) dst(%dma_wait3A_290 : memref<1024x128xf32, #tpu.memory_space<vmem_shared>>)
        tpu.yield
      }) : () -> ()
      %add3A_148 = arith.constant 6 : i32
      %add3A_149 = arith.addi %add3A_137, %add3A_148 : i32
      %min3A = arith.constant 77 : i32
      %min3A_150 = arith.minsi %add3A_149, %min3A : i32
      %mul3A_151 = arith.constant 128 : i32
      %mul3A_152 = arith.muli %min3A_150, %mul3A_151 : i32
      %add3A_153 = arith.addi %mul3A_2, %mul3A_152 : i32
      %dma_start3A_154 = tpu.memref_slice %arg3[%add3A_153] : memref<320000xi32, #tpu.memory_space<hbm>> -> memref<128xi32, #tpu.memory_space<hbm>>
      %dma_start3A_155 = tpu.memref_slice %arg3[%add3A_153] : memref<320000xi32, #tpu.memory_space<hbm>> -> memref<128xi32, #tpu.memory_space<hbm>>
      tpu.enqueue_dma source(%dma_start3A_155 : memref<128xi32, #tpu.memory_space<hbm>>) target(%arg5 : memref<128xi32, #tpu.memory_space<vmem>>) target_semaphore(%arg19 : memref<!tpu.dma_semaphore, #tpu.memory_space<semaphore_mem>>)
      %dma_start3A_156 = arith.constant 0 : i32
      %dma_start3A_157 = tpu.memref_slice %arg2[%add3A_153, %dma_start3A_156] : memref<320000x128xf32, #tpu.memory_space<hbm>> -> memref<128x128xf32, #tpu.memory_space<hbm>>
      %dma_start3A_158 = arith.constant 0 : i32
      %dma_start3A_159 = tpu.memref_slice %arg2[%add3A_153, %dma_start3A_158] : memref<320000x128xf32, #tpu.memory_space<hbm>> -> memref<128x128xf32, #tpu.memory_space<hbm>>
      tpu.enqueue_dma source(%dma_start3A_159 : memref<128x128xf32, #tpu.memory_space<hbm>>) target(%arg11 : memref<128x128xf32, #tpu.memory_space<vmem>>) target_semaphore(%arg25 : memref<!tpu.dma_semaphore, #tpu.memory_space<semaphore_mem>>)
      %add3A_160 = arith.constant 1 : i32
      %add3A_161 = arith.addi %mul3A_135, %add3A_160 : i32
      %dma_wait3A_162 = arith.constant 0 : i32
      %dma_wait3A_163 = tpu.memref_slice %arg3[%dma_wait3A_162] : memref<320000xi32, #tpu.memory_space<hbm>> -> memref<128xi32, #tpu.memory_space<hbm>>
      %dma_wait3A_164 = arith.constant 0 : i32
      %dma_wait3A_165 = tpu.memref_slice %arg3[%dma_wait3A_164] : memref<320000xi32, #tpu.memory_space<hbm>> -> memref<128xi32, #tpu.memory_space<hbm>>
      tpu.wait_dma2 semaphore(%arg20 : memref<!tpu.dma_semaphore, #tpu.memory_space<semaphore_mem>>) src(%dma_wait3A_165 : memref<128xi32, #tpu.memory_space<hbm>>) dst(%arg6 : memref<128xi32, #tpu.memory_space<vmem>>)
      %dma_wait3A_166 = arith.constant 0 : i32
      %dma_wait3A_167 = arith.constant 0 : i32
      %dma_wait3A_168 = tpu.memref_slice %arg2[%dma_wait3A_166, %dma_wait3A_167] : memref<320000x128xf32, #tpu.memory_space<hbm>> -> memref<128x128xf32, #tpu.memory_space<hbm>>
      %dma_wait3A_169 = arith.constant 0 : i32
      %dma_wait3A_170 = arith.constant 0 : i32
      %dma_wait3A_171 = tpu.memref_slice %arg2[%dma_wait3A_169, %dma_wait3A_170] : memref<320000x128xf32, #tpu.memory_space<hbm>> -> memref<128x128xf32, #tpu.memory_space<hbm>>
      tpu.wait_dma2 semaphore(%arg26 : memref<!tpu.dma_semaphore, #tpu.memory_space<semaphore_mem>>) src(%dma_wait3A_171 : memref<128x128xf32, #tpu.memory_space<hbm>>) dst(%arg12 : memref<128x128xf32, #tpu.memory_space<vmem>>)
      "tpu.region"() ({
        %run_scoped3A = tpu.sem_alloc : memref<!tpu.dma_semaphore, #tpu.memory_space<semaphore_mem>>
        %dma_start3A_285 = arith.constant 0 : i32
        %dma_start3A_286 = arith.constant 0 : i32
        %dma_start3A_287 = tpu.memref_slice %arg18[%dma_start3A_285, %dma_start3A_286] : memref<1024x128xf32, #tpu.memory_space<vmem_shared>> -> memref<1024x128xf32, #tpu.memory_space<vmem_shared>>
        tpu.enqueue_indirect_dma source(%arg12 : memref<128x128xf32, #tpu.memory_space<vmem>>) target(%dma_start3A_287 : memref<1024x128xf32, #tpu.memory_space<vmem_shared>>) offsets(%arg6 : memref<128xi32, #tpu.memory_space<vmem>>) semaphore(%run_scoped3A : memref<!tpu.dma_semaphore, #tpu.memory_space<semaphore_mem>>) {add = true}
        %dma_wait3A_288 = arith.constant 0 : i32
        %dma_wait3A_289 = arith.constant 0 : i32
        %dma_wait3A_290 = tpu.memref_slice %arg18[%dma_wait3A_288, %dma_wait3A_289] : memref<1024x128xf32, #tpu.memory_space<vmem_shared>> -> memref<1024x128xf32, #tpu.memory_space<vmem_shared>>
        tpu.wait_indirect_dma semaphore(%run_scoped3A : memref<!tpu.dma_semaphore, #tpu.memory_space<semaphore_mem>>) src(%arg12 : memref<128x128xf32, #tpu.memory_space<vmem>>) dst(%dma_wait3A_290 : memref<1024x128xf32, #tpu.memory_space<vmem_shared>>)
        tpu.yield
      }) : () -> ()
      %add3A_172 = arith.constant 6 : i32
      %add3A_173 = arith.addi %add3A_161, %add3A_172 : i32
      %min3A_174 = arith.constant 77 : i32
      %min3A_175 = arith.minsi %add3A_173, %min3A_174 : i32
      %mul3A_176 = arith.constant 128 : i32
      %mul3A_177 = arith.muli %min3A_175, %mul3A_176 : i32
      %add3A_178 = arith.addi %mul3A_2, %mul3A_177 : i32
      %dma_start3A_179 = tpu.memref_slice %arg3[%add3A_178] : memref<320000xi32, #tpu.memory_space<hbm>> -> memref<128xi32, #tpu.memory_space<hbm>>
      %dma_start3A_180 = tpu.memref_slice %arg3[%add3A_178] : memref<320000xi32, #tpu.memory_space<hbm>> -> memref<128xi32, #tpu.memory_space<hbm>>
      tpu.enqueue_dma source(%dma_start3A_180 : memref<128xi32, #tpu.memory_space<hbm>>) target(%arg6 : memref<128xi32, #tpu.memory_space<vmem>>) target_semaphore(%arg20 : memref<!tpu.dma_semaphore, #tpu.memory_space<semaphore_mem>>)
      %dma_start3A_181 = arith.constant 0 : i32
      %dma_start3A_182 = tpu.memref_slice %arg2[%add3A_178, %dma_start3A_181] : memref<320000x128xf32, #tpu.memory_space<hbm>> -> memref<128x128xf32, #tpu.memory_space<hbm>>
      %dma_start3A_183 = arith.constant 0 : i32
      %dma_start3A_184 = tpu.memref_slice %arg2[%add3A_178, %dma_start3A_183] : memref<320000x128xf32, #tpu.memory_space<hbm>> -> memref<128x128xf32, #tpu.memory_space<hbm>>
      tpu.enqueue_dma source(%dma_start3A_184 : memref<128x128xf32, #tpu.memory_space<hbm>>) target(%arg12 : memref<128x128xf32, #tpu.memory_space<vmem>>) target_semaphore(%arg26 : memref<!tpu.dma_semaphore, #tpu.memory_space<semaphore_mem>>)
      %add3A_185 = arith.constant 2 : i32
      %add3A_186 = arith.addi %mul3A_135, %add3A_185 : i32
      %dma_wait3A_187 = arith.constant 0 : i32
      %dma_wait3A_188 = tpu.memref_slice %arg3[%dma_wait3A_187] : memref<320000xi32, #tpu.memory_space<hbm>> -> memref<128xi32, #tpu.memory_space<hbm>>
      %dma_wait3A_189 = arith.constant 0 : i32
      %dma_wait3A_190 = tpu.memref_slice %arg3[%dma_wait3A_189] : memref<320000xi32, #tpu.memory_space<hbm>> -> memref<128xi32, #tpu.memory_space<hbm>>
      tpu.wait_dma2 semaphore(%arg21 : memref<!tpu.dma_semaphore, #tpu.memory_space<semaphore_mem>>) src(%dma_wait3A_190 : memref<128xi32, #tpu.memory_space<hbm>>) dst(%arg7 : memref<128xi32, #tpu.memory_space<vmem>>)
      %dma_wait3A_191 = arith.constant 0 : i32
      %dma_wait3A_192 = arith.constant 0 : i32
      %dma_wait3A_193 = tpu.memref_slice %arg2[%dma_wait3A_191, %dma_wait3A_192] : memref<320000x128xf32, #tpu.memory_space<hbm>> -> memref<128x128xf32, #tpu.memory_space<hbm>>
      %dma_wait3A_194 = arith.constant 0 : i32
      %dma_wait3A_195 = arith.constant 0 : i32
      %dma_wait3A_196 = tpu.memref_slice %arg2[%dma_wait3A_194, %dma_wait3A_195] : memref<320000x128xf32, #tpu.memory_space<hbm>> -> memref<128x128xf32, #tpu.memory_space<hbm>>
      tpu.wait_dma2 semaphore(%arg27 : memref<!tpu.dma_semaphore, #tpu.memory_space<semaphore_mem>>) src(%dma_wait3A_196 : memref<128x128xf32, #tpu.memory_space<hbm>>) dst(%arg13 : memref<128x128xf32, #tpu.memory_space<vmem>>)
      "tpu.region"() ({
        %run_scoped3A = tpu.sem_alloc : memref<!tpu.dma_semaphore, #tpu.memory_space<semaphore_mem>>
        %dma_start3A_285 = arith.constant 0 : i32
        %dma_start3A_286 = arith.constant 0 : i32
        %dma_start3A_287 = tpu.memref_slice %arg18[%dma_start3A_285, %dma_start3A_286] : memref<1024x128xf32, #tpu.memory_space<vmem_shared>> -> memref<1024x128xf32, #tpu.memory_space<vmem_shared>>
        tpu.enqueue_indirect_dma source(%arg13 : memref<128x128xf32, #tpu.memory_space<vmem>>) target(%dma_start3A_287 : memref<1024x128xf32, #tpu.memory_space<vmem_shared>>) offsets(%arg7 : memref<128xi32, #tpu.memory_space<vmem>>) semaphore(%run_scoped3A : memref<!tpu.dma_semaphore, #tpu.memory_space<semaphore_mem>>) {add = true}
        %dma_wait3A_288 = arith.constant 0 : i32
        %dma_wait3A_289 = arith.constant 0 : i32
        %dma_wait3A_290 = tpu.memref_slice %arg18[%dma_wait3A_288, %dma_wait3A_289] : memref<1024x128xf32, #tpu.memory_space<vmem_shared>> -> memref<1024x128xf32, #tpu.memory_space<vmem_shared>>
        tpu.wait_indirect_dma semaphore(%run_scoped3A : memref<!tpu.dma_semaphore, #tpu.memory_space<semaphore_mem>>) src(%arg13 : memref<128x128xf32, #tpu.memory_space<vmem>>) dst(%dma_wait3A_290 : memref<1024x128xf32, #tpu.memory_space<vmem_shared>>)
        tpu.yield
      }) : () -> ()
      %add3A_197 = arith.constant 6 : i32
      %add3A_198 = arith.addi %add3A_186, %add3A_197 : i32
      %min3A_199 = arith.constant 77 : i32
      %min3A_200 = arith.minsi %add3A_198, %min3A_199 : i32
      %mul3A_201 = arith.constant 128 : i32
      %mul3A_202 = arith.muli %min3A_200, %mul3A_201 : i32
      %add3A_203 = arith.addi %mul3A_2, %mul3A_202 : i32
      %dma_start3A_204 = tpu.memref_slice %arg3[%add3A_203] : memref<320000xi32, #tpu.memory_space<hbm>> -> memref<128xi32, #tpu.memory_space<hbm>>
      %dma_start3A_205 = tpu.memref_slice %arg3[%add3A_203] : memref<320000xi32, #tpu.memory_space<hbm>> -> memref<128xi32, #tpu.memory_space<hbm>>
      tpu.enqueue_dma source(%dma_start3A_205 : memref<128xi32, #tpu.memory_space<hbm>>) target(%arg7 : memref<128xi32, #tpu.memory_space<vmem>>) target_semaphore(%arg21 : memref<!tpu.dma_semaphore, #tpu.memory_space<semaphore_mem>>)
      %dma_start3A_206 = arith.constant 0 : i32
      %dma_start3A_207 = tpu.memref_slice %arg2[%add3A_203, %dma_start3A_206] : memref<320000x128xf32, #tpu.memory_space<hbm>> -> memref<128x128xf32, #tpu.memory_space<hbm>>
      %dma_start3A_208 = arith.constant 0 : i32
      %dma_start3A_209 = tpu.memref_slice %arg2[%add3A_203, %dma_start3A_208] : memref<320000x128xf32, #tpu.memory_space<hbm>> -> memref<128x128xf32, #tpu.memory_space<hbm>>
      tpu.enqueue_dma source(%dma_start3A_209 : memref<128x128xf32, #tpu.memory_space<hbm>>) target(%arg13 : memref<128x128xf32, #tpu.memory_space<vmem>>) target_semaphore(%arg27 : memref<!tpu.dma_semaphore, #tpu.memory_space<semaphore_mem>>)
      %add3A_210 = arith.constant 3 : i32
      %add3A_211 = arith.addi %mul3A_135, %add3A_210 : i32
      %dma_wait3A_212 = arith.constant 0 : i32
      %dma_wait3A_213 = tpu.memref_slice %arg3[%dma_wait3A_212] : memref<320000xi32, #tpu.memory_space<hbm>> -> memref<128xi32, #tpu.memory_space<hbm>>
      %dma_wait3A_214 = arith.constant 0 : i32
      %dma_wait3A_215 = tpu.memref_slice %arg3[%dma_wait3A_214] : memref<320000xi32, #tpu.memory_space<hbm>> -> memref<128xi32, #tpu.memory_space<hbm>>
      tpu.wait_dma2 semaphore(%arg22 : memref<!tpu.dma_semaphore, #tpu.memory_space<semaphore_mem>>) src(%dma_wait3A_215 : memref<128xi32, #tpu.memory_space<hbm>>) dst(%arg8 : memref<128xi32, #tpu.memory_space<vmem>>)
      %dma_wait3A_216 = arith.constant 0 : i32
      %dma_wait3A_217 = arith.constant 0 : i32
      %dma_wait3A_218 = tpu.memref_slice %arg2[%dma_wait3A_216, %dma_wait3A_217] : memref<320000x128xf32, #tpu.memory_space<hbm>> -> memref<128x128xf32, #tpu.memory_space<hbm>>
      %dma_wait3A_219 = arith.constant 0 : i32
      %dma_wait3A_220 = arith.constant 0 : i32
      %dma_wait3A_221 = tpu.memref_slice %arg2[%dma_wait3A_219, %dma_wait3A_220] : memref<320000x128xf32, #tpu.memory_space<hbm>> -> memref<128x128xf32, #tpu.memory_space<hbm>>
      tpu.wait_dma2 semaphore(%arg28 : memref<!tpu.dma_semaphore, #tpu.memory_space<semaphore_mem>>) src(%dma_wait3A_221 : memref<128x128xf32, #tpu.memory_space<hbm>>) dst(%arg14 : memref<128x128xf32, #tpu.memory_space<vmem>>)
      "tpu.region"() ({
        %run_scoped3A = tpu.sem_alloc : memref<!tpu.dma_semaphore, #tpu.memory_space<semaphore_mem>>
        %dma_start3A_285 = arith.constant 0 : i32
        %dma_start3A_286 = arith.constant 0 : i32
        %dma_start3A_287 = tpu.memref_slice %arg18[%dma_start3A_285, %dma_start3A_286] : memref<1024x128xf32, #tpu.memory_space<vmem_shared>> -> memref<1024x128xf32, #tpu.memory_space<vmem_shared>>
        tpu.enqueue_indirect_dma source(%arg14 : memref<128x128xf32, #tpu.memory_space<vmem>>) target(%dma_start3A_287 : memref<1024x128xf32, #tpu.memory_space<vmem_shared>>) offsets(%arg8 : memref<128xi32, #tpu.memory_space<vmem>>) semaphore(%run_scoped3A : memref<!tpu.dma_semaphore, #tpu.memory_space<semaphore_mem>>) {add = true}
        %dma_wait3A_288 = arith.constant 0 : i32
        %dma_wait3A_289 = arith.constant 0 : i32
        %dma_wait3A_290 = tpu.memref_slice %arg18[%dma_wait3A_288, %dma_wait3A_289] : memref<1024x128xf32, #tpu.memory_space<vmem_shared>> -> memref<1024x128xf32, #tpu.memory_space<vmem_shared>>
        tpu.wait_indirect_dma semaphore(%run_scoped3A : memref<!tpu.dma_semaphore, #tpu.memory_space<semaphore_mem>>) src(%arg14 : memref<128x128xf32, #tpu.memory_space<vmem>>) dst(%dma_wait3A_290 : memref<1024x128xf32, #tpu.memory_space<vmem_shared>>)
        tpu.yield
      }) : () -> ()
      %add3A_222 = arith.constant 6 : i32
      %add3A_223 = arith.addi %add3A_211, %add3A_222 : i32
      %min3A_224 = arith.constant 77 : i32
      %min3A_225 = arith.minsi %add3A_223, %min3A_224 : i32
      %mul3A_226 = arith.constant 128 : i32
      %mul3A_227 = arith.muli %min3A_225, %mul3A_226 : i32
      %add3A_228 = arith.addi %mul3A_2, %mul3A_227 : i32
      %dma_start3A_229 = tpu.memref_slice %arg3[%add3A_228] : memref<320000xi32, #tpu.memory_space<hbm>> -> memref<128xi32, #tpu.memory_space<hbm>>
      %dma_start3A_230 = tpu.memref_slice %arg3[%add3A_228] : memref<320000xi32, #tpu.memory_space<hbm>> -> memref<128xi32, #tpu.memory_space<hbm>>
      tpu.enqueue_dma source(%dma_start3A_230 : memref<128xi32, #tpu.memory_space<hbm>>) target(%arg8 : memref<128xi32, #tpu.memory_space<vmem>>) target_semaphore(%arg22 : memref<!tpu.dma_semaphore, #tpu.memory_space<semaphore_mem>>)
      %dma_start3A_231 = arith.constant 0 : i32
      %dma_start3A_232 = tpu.memref_slice %arg2[%add3A_228, %dma_start3A_231] : memref<320000x128xf32, #tpu.memory_space<hbm>> -> memref<128x128xf32, #tpu.memory_space<hbm>>
      %dma_start3A_233 = arith.constant 0 : i32
      %dma_start3A_234 = tpu.memref_slice %arg2[%add3A_228, %dma_start3A_233] : memref<320000x128xf32, #tpu.memory_space<hbm>> -> memref<128x128xf32, #tpu.memory_space<hbm>>
      tpu.enqueue_dma source(%dma_start3A_234 : memref<128x128xf32, #tpu.memory_space<hbm>>) target(%arg14 : memref<128x128xf32, #tpu.memory_space<vmem>>) target_semaphore(%arg28 : memref<!tpu.dma_semaphore, #tpu.memory_space<semaphore_mem>>)
      %add3A_235 = arith.constant 4 : i32
      %add3A_236 = arith.addi %mul3A_135, %add3A_235 : i32
      %dma_wait3A_237 = arith.constant 0 : i32
      %dma_wait3A_238 = tpu.memref_slice %arg3[%dma_wait3A_237] : memref<320000xi32, #tpu.memory_space<hbm>> -> memref<128xi32, #tpu.memory_space<hbm>>
      %dma_wait3A_239 = arith.constant 0 : i32
      %dma_wait3A_240 = tpu.memref_slice %arg3[%dma_wait3A_239] : memref<320000xi32, #tpu.memory_space<hbm>> -> memref<128xi32, #tpu.memory_space<hbm>>
      tpu.wait_dma2 semaphore(%arg23 : memref<!tpu.dma_semaphore, #tpu.memory_space<semaphore_mem>>) src(%dma_wait3A_240 : memref<128xi32, #tpu.memory_space<hbm>>) dst(%arg9 : memref<128xi32, #tpu.memory_space<vmem>>)
      %dma_wait3A_241 = arith.constant 0 : i32
      %dma_wait3A_242 = arith.constant 0 : i32
      %dma_wait3A_243 = tpu.memref_slice %arg2[%dma_wait3A_241, %dma_wait3A_242] : memref<320000x128xf32, #tpu.memory_space<hbm>> -> memref<128x128xf32, #tpu.memory_space<hbm>>
      %dma_wait3A_244 = arith.constant 0 : i32
      %dma_wait3A_245 = arith.constant 0 : i32
      %dma_wait3A_246 = tpu.memref_slice %arg2[%dma_wait3A_244, %dma_wait3A_245] : memref<320000x128xf32, #tpu.memory_space<hbm>> -> memref<128x128xf32, #tpu.memory_space<hbm>>
      tpu.wait_dma2 semaphore(%arg29 : memref<!tpu.dma_semaphore, #tpu.memory_space<semaphore_mem>>) src(%dma_wait3A_246 : memref<128x128xf32, #tpu.memory_space<hbm>>) dst(%arg15 : memref<128x128xf32, #tpu.memory_space<vmem>>)
      "tpu.region"() ({
        %run_scoped3A = tpu.sem_alloc : memref<!tpu.dma_semaphore, #tpu.memory_space<semaphore_mem>>
        %dma_start3A_285 = arith.constant 0 : i32
        %dma_start3A_286 = arith.constant 0 : i32
        %dma_start3A_287 = tpu.memref_slice %arg18[%dma_start3A_285, %dma_start3A_286] : memref<1024x128xf32, #tpu.memory_space<vmem_shared>> -> memref<1024x128xf32, #tpu.memory_space<vmem_shared>>
        tpu.enqueue_indirect_dma source(%arg15 : memref<128x128xf32, #tpu.memory_space<vmem>>) target(%dma_start3A_287 : memref<1024x128xf32, #tpu.memory_space<vmem_shared>>) offsets(%arg9 : memref<128xi32, #tpu.memory_space<vmem>>) semaphore(%run_scoped3A : memref<!tpu.dma_semaphore, #tpu.memory_space<semaphore_mem>>) {add = true}
        %dma_wait3A_288 = arith.constant 0 : i32
        %dma_wait3A_289 = arith.constant 0 : i32
        %dma_wait3A_290 = tpu.memref_slice %arg18[%dma_wait3A_288, %dma_wait3A_289] : memref<1024x128xf32, #tpu.memory_space<vmem_shared>> -> memref<1024x128xf32, #tpu.memory_space<vmem_shared>>
        tpu.wait_indirect_dma semaphore(%run_scoped3A : memref<!tpu.dma_semaphore, #tpu.memory_space<semaphore_mem>>) src(%arg15 : memref<128x128xf32, #tpu.memory_space<vmem>>) dst(%dma_wait3A_290 : memref<1024x128xf32, #tpu.memory_space<vmem_shared>>)
        tpu.yield
      }) : () -> ()
      %add3A_247 = arith.constant 6 : i32
      %add3A_248 = arith.addi %add3A_236, %add3A_247 : i32
      %min3A_249 = arith.constant 77 : i32
      %min3A_250 = arith.minsi %add3A_248, %min3A_249 : i32
      %mul3A_251 = arith.constant 128 : i32
      %mul3A_252 = arith.muli %min3A_250, %mul3A_251 : i32
      %add3A_253 = arith.addi %mul3A_2, %mul3A_252 : i32
      %dma_start3A_254 = tpu.memref_slice %arg3[%add3A_253] : memref<320000xi32, #tpu.memory_space<hbm>> -> memref<128xi32, #tpu.memory_space<hbm>>
      %dma_start3A_255 = tpu.memref_slice %arg3[%add3A_253] : memref<320000xi32, #tpu.memory_space<hbm>> -> memref<128xi32, #tpu.memory_space<hbm>>
      tpu.enqueue_dma source(%dma_start3A_255 : memref<128xi32, #tpu.memory_space<hbm>>) target(%arg9 : memref<128xi32, #tpu.memory_space<vmem>>) target_semaphore(%arg23 : memref<!tpu.dma_semaphore, #tpu.memory_space<semaphore_mem>>)
      %dma_start3A_256 = arith.constant 0 : i32
      %dma_start3A_257 = tpu.memref_slice %arg2[%add3A_253, %dma_start3A_256] : memref<320000x128xf32, #tpu.memory_space<hbm>> -> memref<128x128xf32, #tpu.memory_space<hbm>>
      %dma_start3A_258 = arith.constant 0 : i32
      %dma_start3A_259 = tpu.memref_slice %arg2[%add3A_253, %dma_start3A_258] : memref<320000x128xf32, #tpu.memory_space<hbm>> -> memref<128x128xf32, #tpu.memory_space<hbm>>
      tpu.enqueue_dma source(%dma_start3A_259 : memref<128x128xf32, #tpu.memory_space<hbm>>) target(%arg15 : memref<128x128xf32, #tpu.memory_space<vmem>>) target_semaphore(%arg29 : memref<!tpu.dma_semaphore, #tpu.memory_space<semaphore_mem>>)
      %add3A_260 = arith.constant 5 : i32
      %add3A_261 = arith.addi %mul3A_135, %add3A_260 : i32
      %dma_wait3A_262 = arith.constant 0 : i32
      %dma_wait3A_263 = tpu.memref_slice %arg3[%dma_wait3A_262] : memref<320000xi32, #tpu.memory_space<hbm>> -> memref<128xi32, #tpu.memory_space<hbm>>
      %dma_wait3A_264 = arith.constant 0 : i32
      %dma_wait3A_265 = tpu.memref_slice %arg3[%dma_wait3A_264] : memref<320000xi32, #tpu.memory_space<hbm>> -> memref<128xi32, #tpu.memory_space<hbm>>
      tpu.wait_dma2 semaphore(%arg24 : memref<!tpu.dma_semaphore, #tpu.memory_space<semaphore_mem>>) src(%dma_wait3A_265 : memref<128xi32, #tpu.memory_space<hbm>>) dst(%arg10 : memref<128xi32, #tpu.memory_space<vmem>>)
      %dma_wait3A_266 = arith.constant 0 : i32
      %dma_wait3A_267 = arith.constant 0 : i32
      %dma_wait3A_268 = tpu.memref_slice %arg2[%dma_wait3A_266, %dma_wait3A_267] : memref<320000x128xf32, #tpu.memory_space<hbm>> -> memref<128x128xf32, #tpu.memory_space<hbm>>
      %dma_wait3A_269 = arith.constant 0 : i32
      %dma_wait3A_270 = arith.constant 0 : i32
      %dma_wait3A_271 = tpu.memref_slice %arg2[%dma_wait3A_269, %dma_wait3A_270] : memref<320000x128xf32, #tpu.memory_space<hbm>> -> memref<128x128xf32, #tpu.memory_space<hbm>>
      tpu.wait_dma2 semaphore(%arg30 : memref<!tpu.dma_semaphore, #tpu.memory_space<semaphore_mem>>) src(%dma_wait3A_271 : memref<128x128xf32, #tpu.memory_space<hbm>>) dst(%arg16 : memref<128x128xf32, #tpu.memory_space<vmem>>)
      "tpu.region"() ({
        %run_scoped3A = tpu.sem_alloc : memref<!tpu.dma_semaphore, #tpu.memory_space<semaphore_mem>>
        %dma_start3A_285 = arith.constant 0 : i32
        %dma_start3A_286 = arith.constant 0 : i32
        %dma_start3A_287 = tpu.memref_slice %arg18[%dma_start3A_285, %dma_start3A_286] : memref<1024x128xf32, #tpu.memory_space<vmem_shared>> -> memref<1024x128xf32, #tpu.memory_space<vmem_shared>>
        tpu.enqueue_indirect_dma source(%arg16 : memref<128x128xf32, #tpu.memory_space<vmem>>) target(%dma_start3A_287 : memref<1024x128xf32, #tpu.memory_space<vmem_shared>>) offsets(%arg10 : memref<128xi32, #tpu.memory_space<vmem>>) semaphore(%run_scoped3A : memref<!tpu.dma_semaphore, #tpu.memory_space<semaphore_mem>>) {add = true}
        %dma_wait3A_288 = arith.constant 0 : i32
        %dma_wait3A_289 = arith.constant 0 : i32
        %dma_wait3A_290 = tpu.memref_slice %arg18[%dma_wait3A_288, %dma_wait3A_289] : memref<1024x128xf32, #tpu.memory_space<vmem_shared>> -> memref<1024x128xf32, #tpu.memory_space<vmem_shared>>
        tpu.wait_indirect_dma semaphore(%run_scoped3A : memref<!tpu.dma_semaphore, #tpu.memory_space<semaphore_mem>>) src(%arg16 : memref<128x128xf32, #tpu.memory_space<vmem>>) dst(%dma_wait3A_290 : memref<1024x128xf32, #tpu.memory_space<vmem_shared>>)
        tpu.yield
      }) : () -> ()
      %add3A_272 = arith.constant 6 : i32
      %add3A_273 = arith.addi %add3A_261, %add3A_272 : i32
      %min3A_274 = arith.constant 77 : i32
      %min3A_275 = arith.minsi %add3A_273, %min3A_274 : i32
      %mul3A_276 = arith.constant 128 : i32
      %mul3A_277 = arith.muli %min3A_275, %mul3A_276 : i32
      %add3A_278 = arith.addi %mul3A_2, %mul3A_277 : i32
      %dma_start3A_279 = tpu.memref_slice %arg3[%add3A_278] : memref<320000xi32, #tpu.memory_space<hbm>> -> memref<128xi32, #tpu.memory_space<hbm>>
      %dma_start3A_280 = tpu.memref_slice %arg3[%add3A_278] : memref<320000xi32, #tpu.memory_space<hbm>> -> memref<128xi32, #tpu.memory_space<hbm>>
      tpu.enqueue_dma source(%dma_start3A_280 : memref<128xi32, #tpu.memory_space<hbm>>) target(%arg10 : memref<128xi32, #tpu.memory_space<vmem>>) target_semaphore(%arg24 : memref<!tpu.dma_semaphore, #tpu.memory_space<semaphore_mem>>)
      %dma_start3A_281 = arith.constant 0 : i32
      %dma_start3A_282 = tpu.memref_slice %arg2[%add3A_278, %dma_start3A_281] : memref<320000x128xf32, #tpu.memory_space<hbm>> -> memref<128x128xf32, #tpu.memory_space<hbm>>
      %dma_start3A_283 = arith.constant 0 : i32
      %dma_start3A_284 = tpu.memref_slice %arg2[%add3A_278, %dma_start3A_283] : memref<320000x128xf32, #tpu.memory_space<hbm>> -> memref<128x128xf32, #tpu.memory_space<hbm>>
      tpu.enqueue_dma source(%dma_start3A_284 : memref<128x128xf32, #tpu.memory_space<hbm>>) target(%arg16 : memref<128x128xf32, #tpu.memory_space<vmem>>) target_semaphore(%arg30 : memref<!tpu.dma_semaphore, #tpu.memory_space<semaphore_mem>>)
    }
    %scan3A_63 = arith.constant 13 : i32
    %dma_wait3A = arith.constant 0 : i32
    %dma_wait3A_64 = tpu.memref_slice %arg3[%dma_wait3A] : memref<320000xi32, #tpu.memory_space<hbm>> -> memref<128xi32, #tpu.memory_space<hbm>>
    %dma_wait3A_65 = arith.constant 0 : i32
    %dma_wait3A_66 = tpu.memref_slice %arg3[%dma_wait3A_65] : memref<320000xi32, #tpu.memory_space<hbm>> -> memref<128xi32, #tpu.memory_space<hbm>>
    tpu.wait_dma2 semaphore(%arg19 : memref<!tpu.dma_semaphore, #tpu.memory_space<semaphore_mem>>) src(%dma_wait3A_66 : memref<128xi32, #tpu.memory_space<hbm>>) dst(%arg5 : memref<128xi32, #tpu.memory_space<vmem>>)
    %dma_wait3A_67 = arith.constant 0 : i32
    %dma_wait3A_68 = arith.constant 0 : i32
    %dma_wait3A_69 = tpu.memref_slice %arg2[%dma_wait3A_67, %dma_wait3A_68] : memref<320000x128xf32, #tpu.memory_space<hbm>> -> memref<128x128xf32, #tpu.memory_space<hbm>>
    %dma_wait3A_70 = arith.constant 0 : i32
    %dma_wait3A_71 = arith.constant 0 : i32
    %dma_wait3A_72 = tpu.memref_slice %arg2[%dma_wait3A_70, %dma_wait3A_71] : memref<320000x128xf32, #tpu.memory_space<hbm>> -> memref<128x128xf32, #tpu.memory_space<hbm>>
    tpu.wait_dma2 semaphore(%arg25 : memref<!tpu.dma_semaphore, #tpu.memory_space<semaphore_mem>>) src(%dma_wait3A_72 : memref<128x128xf32, #tpu.memory_space<hbm>>) dst(%arg11 : memref<128x128xf32, #tpu.memory_space<vmem>>)
    %dma_wait3A_73 = arith.constant 0 : i32
    %dma_wait3A_74 = tpu.memref_slice %arg3[%dma_wait3A_73] : memref<320000xi32, #tpu.memory_space<hbm>> -> memref<128xi32, #tpu.memory_space<hbm>>
    %dma_wait3A_75 = arith.constant 0 : i32
    %dma_wait3A_76 = tpu.memref_slice %arg3[%dma_wait3A_75] : memref<320000xi32, #tpu.memory_space<hbm>> -> memref<128xi32, #tpu.memory_space<hbm>>
    tpu.wait_dma2 semaphore(%arg20 : memref<!tpu.dma_semaphore, #tpu.memory_space<semaphore_mem>>) src(%dma_wait3A_76 : memref<128xi32, #tpu.memory_space<hbm>>) dst(%arg6 : memref<128xi32, #tpu.memory_space<vmem>>)
    %dma_wait3A_77 = arith.constant 0 : i32
    %dma_wait3A_78 = arith.constant 0 : i32
    %dma_wait3A_79 = tpu.memref_slice %arg2[%dma_wait3A_77, %dma_wait3A_78] : memref<320000x128xf32, #tpu.memory_space<hbm>> -> memref<128x128xf32, #tpu.memory_space<hbm>>
    %dma_wait3A_80 = arith.constant 0 : i32
    %dma_wait3A_81 = arith.constant 0 : i32
    %dma_wait3A_82 = tpu.memref_slice %arg2[%dma_wait3A_80, %dma_wait3A_81] : memref<320000x128xf32, #tpu.memory_space<hbm>> -> memref<128x128xf32, #tpu.memory_space<hbm>>
    tpu.wait_dma2 semaphore(%arg26 : memref<!tpu.dma_semaphore, #tpu.memory_space<semaphore_mem>>) src(%dma_wait3A_82 : memref<128x128xf32, #tpu.memory_space<hbm>>) dst(%arg12 : memref<128x128xf32, #tpu.memory_space<vmem>>)
    %dma_wait3A_83 = arith.constant 0 : i32
    %dma_wait3A_84 = tpu.memref_slice %arg3[%dma_wait3A_83] : memref<320000xi32, #tpu.memory_space<hbm>> -> memref<128xi32, #tpu.memory_space<hbm>>
    %dma_wait3A_85 = arith.constant 0 : i32
    %dma_wait3A_86 = tpu.memref_slice %arg3[%dma_wait3A_85] : memref<320000xi32, #tpu.memory_space<hbm>> -> memref<128xi32, #tpu.memory_space<hbm>>
    tpu.wait_dma2 semaphore(%arg21 : memref<!tpu.dma_semaphore, #tpu.memory_space<semaphore_mem>>) src(%dma_wait3A_86 : memref<128xi32, #tpu.memory_space<hbm>>) dst(%arg7 : memref<128xi32, #tpu.memory_space<vmem>>)
    %dma_wait3A_87 = arith.constant 0 : i32
    %dma_wait3A_88 = arith.constant 0 : i32
    %dma_wait3A_89 = tpu.memref_slice %arg2[%dma_wait3A_87, %dma_wait3A_88] : memref<320000x128xf32, #tpu.memory_space<hbm>> -> memref<128x128xf32, #tpu.memory_space<hbm>>
    %dma_wait3A_90 = arith.constant 0 : i32
    %dma_wait3A_91 = arith.constant 0 : i32
    %dma_wait3A_92 = tpu.memref_slice %arg2[%dma_wait3A_90, %dma_wait3A_91] : memref<320000x128xf32, #tpu.memory_space<hbm>> -> memref<128x128xf32, #tpu.memory_space<hbm>>
    tpu.wait_dma2 semaphore(%arg27 : memref<!tpu.dma_semaphore, #tpu.memory_space<semaphore_mem>>) src(%dma_wait3A_92 : memref<128x128xf32, #tpu.memory_space<hbm>>) dst(%arg13 : memref<128x128xf32, #tpu.memory_space<vmem>>)
    %dma_wait3A_93 = arith.constant 0 : i32
    %dma_wait3A_94 = tpu.memref_slice %arg3[%dma_wait3A_93] : memref<320000xi32, #tpu.memory_space<hbm>> -> memref<128xi32, #tpu.memory_space<hbm>>
    %dma_wait3A_95 = arith.constant 0 : i32
    %dma_wait3A_96 = tpu.memref_slice %arg3[%dma_wait3A_95] : memref<320000xi32, #tpu.memory_space<hbm>> -> memref<128xi32, #tpu.memory_space<hbm>>
    tpu.wait_dma2 semaphore(%arg22 : memref<!tpu.dma_semaphore, #tpu.memory_space<semaphore_mem>>) src(%dma_wait3A_96 : memref<128xi32, #tpu.memory_space<hbm>>) dst(%arg8 : memref<128xi32, #tpu.memory_space<vmem>>)
    %dma_wait3A_97 = arith.constant 0 : i32
    %dma_wait3A_98 = arith.constant 0 : i32
    %dma_wait3A_99 = tpu.memref_slice %arg2[%dma_wait3A_97, %dma_wait3A_98] : memref<320000x128xf32, #tpu.memory_space<hbm>> -> memref<128x128xf32, #tpu.memory_space<hbm>>
    %dma_wait3A_100 = arith.constant 0 : i32
    %dma_wait3A_101 = arith.constant 0 : i32
    %dma_wait3A_102 = tpu.memref_slice %arg2[%dma_wait3A_100, %dma_wait3A_101] : memref<320000x128xf32, #tpu.memory_space<hbm>> -> memref<128x128xf32, #tpu.memory_space<hbm>>
    tpu.wait_dma2 semaphore(%arg28 : memref<!tpu.dma_semaphore, #tpu.memory_space<semaphore_mem>>) src(%dma_wait3A_102 : memref<128x128xf32, #tpu.memory_space<hbm>>) dst(%arg14 : memref<128x128xf32, #tpu.memory_space<vmem>>)
    %dma_wait3A_103 = arith.constant 0 : i32
    %dma_wait3A_104 = tpu.memref_slice %arg3[%dma_wait3A_103] : memref<320000xi32, #tpu.memory_space<hbm>> -> memref<128xi32, #tpu.memory_space<hbm>>
    %dma_wait3A_105 = arith.constant 0 : i32
    %dma_wait3A_106 = tpu.memref_slice %arg3[%dma_wait3A_105] : memref<320000xi32, #tpu.memory_space<hbm>> -> memref<128xi32, #tpu.memory_space<hbm>>
    tpu.wait_dma2 semaphore(%arg23 : memref<!tpu.dma_semaphore, #tpu.memory_space<semaphore_mem>>) src(%dma_wait3A_106 : memref<128xi32, #tpu.memory_space<hbm>>) dst(%arg9 : memref<128xi32, #tpu.memory_space<vmem>>)
    %dma_wait3A_107 = arith.constant 0 : i32
    %dma_wait3A_108 = arith.constant 0 : i32
    %dma_wait3A_109 = tpu.memref_slice %arg2[%dma_wait3A_107, %dma_wait3A_108] : memref<320000x128xf32, #tpu.memory_space<hbm>> -> memref<128x128xf32, #tpu.memory_space<hbm>>
    %dma_wait3A_110 = arith.constant 0 : i32
    %dma_wait3A_111 = arith.constant 0 : i32
    %dma_wait3A_112 = tpu.memref_slice %arg2[%dma_wait3A_110, %dma_wait3A_111] : memref<320000x128xf32, #tpu.memory_space<hbm>> -> memref<128x128xf32, #tpu.memory_space<hbm>>
    tpu.wait_dma2 semaphore(%arg29 : memref<!tpu.dma_semaphore, #tpu.memory_space<semaphore_mem>>) src(%dma_wait3A_112 : memref<128x128xf32, #tpu.memory_space<hbm>>) dst(%arg15 : memref<128x128xf32, #tpu.memory_space<vmem>>)
    %dma_wait3A_113 = arith.constant 0 : i32
    %dma_wait3A_114 = tpu.memref_slice %arg3[%dma_wait3A_113] : memref<320000xi32, #tpu.memory_space<hbm>> -> memref<128xi32, #tpu.memory_space<hbm>>
    %dma_wait3A_115 = arith.constant 0 : i32
    %dma_wait3A_116 = tpu.memref_slice %arg3[%dma_wait3A_115] : memref<320000xi32, #tpu.memory_space<hbm>> -> memref<128xi32, #tpu.memory_space<hbm>>
    tpu.wait_dma2 semaphore(%arg24 : memref<!tpu.dma_semaphore, #tpu.memory_space<semaphore_mem>>) src(%dma_wait3A_116 : memref<128xi32, #tpu.memory_space<hbm>>) dst(%arg10 : memref<128xi32, #tpu.memory_space<vmem>>)
    %dma_wait3A_117 = arith.constant 0 : i32
    %dma_wait3A_118 = arith.constant 0 : i32
    %dma_wait3A_119 = tpu.memref_slice %arg2[%dma_wait3A_117, %dma_wait3A_118] : memref<320000x128xf32, #tpu.memory_space<hbm>> -> memref<128x128xf32, #tpu.memory_space<hbm>>
    %dma_wait3A_120 = arith.constant 0 : i32
    %dma_wait3A_121 = arith.constant 0 : i32
    %dma_wait3A_122 = tpu.memref_slice %arg2[%dma_wait3A_120, %dma_wait3A_121] : memref<320000x128xf32, #tpu.memory_space<hbm>> -> memref<128x128xf32, #tpu.memory_space<hbm>>
    tpu.wait_dma2 semaphore(%arg30 : memref<!tpu.dma_semaphore, #tpu.memory_space<semaphore_mem>>) src(%dma_wait3A_122 : memref<128x128xf32, #tpu.memory_space<hbm>>) dst(%arg16 : memref<128x128xf32, #tpu.memory_space<vmem>>)
    %add3A_123 = arith.constant 9984 : i32
    %add3A_124 = arith.addi %mul3A_2, %add3A_123 : i32
    "tpu.region"() ({
      %run_scoped3A = tpu.sem_alloc : memref<!tpu.dma_semaphore, #tpu.memory_space<semaphore_mem>>
      %dma_start3A_133 = tpu.memref_slice %arg3[%add3A_124] : memref<320000xi32, #tpu.memory_space<hbm>> -> memref<16xi32, #tpu.memory_space<hbm>>
      %dma_start3A_134 = tpu.memref_slice %arg3[%add3A_124] : memref<320000xi32, #tpu.memory_space<hbm>> -> memref<16xi32, #tpu.memory_space<hbm>>
      tpu.enqueue_dma source(%dma_start3A_134 : memref<16xi32, #tpu.memory_space<hbm>>) target(%arg17 : memref<16xi32, #tpu.memory_space<vmem>>) target_semaphore(%run_scoped3A : memref<!tpu.dma_semaphore, #tpu.memory_space<semaphore_mem>>)
      %dma_wait3A_135 = tpu.memref_slice %arg3[%add3A_124] : memref<320000xi32, #tpu.memory_space<hbm>> -> memref<16xi32, #tpu.memory_space<hbm>>
      %dma_wait3A_136 = tpu.memref_slice %arg3[%add3A_124] : memref<320000xi32, #tpu.memory_space<hbm>> -> memref<16xi32, #tpu.memory_space<hbm>>
      tpu.wait_dma2 semaphore(%run_scoped3A : memref<!tpu.dma_semaphore, #tpu.memory_space<semaphore_mem>>) src(%dma_wait3A_136 : memref<16xi32, #tpu.memory_space<hbm>>) dst(%arg17 : memref<16xi32, #tpu.memory_space<vmem>>)
      tpu.yield
    }) : () -> ()
    "tpu.region"() ({
      %run_scoped3A = tpu.sem_alloc : memref<!tpu.dma_semaphore, #tpu.memory_space<semaphore_mem>>
      %dma_start3A_133 = arith.constant 0 : i32
      %dma_start3A_134 = arith.constant 0 : i32
      %dma_start3A_135 = tpu.memref_slice %arg11[%dma_start3A_133, %dma_start3A_134] : memref<128x128xf32, #tpu.memory_space<vmem>> -> memref<16x128xf32, #tpu.memory_space<vmem>>
      %dma_start3A_136 = arith.constant 0 : i32
      %dma_start3A_137 = tpu.memref_slice %arg2[%add3A_124, %dma_start3A_136] : memref<320000x128xf32, #tpu.memory_space<hbm>> -> memref<16x128xf32, #tpu.memory_space<hbm>>
      %dma_start3A_138 = arith.constant 0 : i32
      %dma_start3A_139 = arith.constant 0 : i32
      %dma_start3A_140 = tpu.memref_slice %arg11[%dma_start3A_138, %dma_start3A_139] : memref<128x128xf32, #tpu.memory_space<vmem>> -> memref<16x128xf32, #tpu.memory_space<vmem>>
      %dma_start3A_141 = arith.constant 0 : i32
      %dma_start3A_142 = tpu.memref_slice %arg2[%add3A_124, %dma_start3A_141] : memref<320000x128xf32, #tpu.memory_space<hbm>> -> memref<16x128xf32, #tpu.memory_space<hbm>>
      tpu.enqueue_dma source(%dma_start3A_142 : memref<16x128xf32, #tpu.memory_space<hbm>>) target(%dma_start3A_140 : memref<16x128xf32, #tpu.memory_space<vmem>>) target_semaphore(%run_scoped3A : memref<!tpu.dma_semaphore, #tpu.memory_space<semaphore_mem>>)
      %dma_wait3A_143 = arith.constant 0 : i32
      %dma_wait3A_144 = arith.constant 0 : i32
      %dma_wait3A_145 = tpu.memref_slice %arg11[%dma_wait3A_143, %dma_wait3A_144] : memref<128x128xf32, #tpu.memory_space<vmem>> -> memref<16x128xf32, #tpu.memory_space<vmem>>
      %dma_wait3A_146 = arith.constant 0 : i32
      %dma_wait3A_147 = tpu.memref_slice %arg2[%add3A_124, %dma_wait3A_146] : memref<320000x128xf32, #tpu.memory_space<hbm>> -> memref<16x128xf32, #tpu.memory_space<hbm>>
      %dma_wait3A_148 = arith.constant 0 : i32
      %dma_wait3A_149 = arith.constant 0 : i32
      %dma_wait3A_150 = tpu.memref_slice %arg11[%dma_wait3A_148, %dma_wait3A_149] : memref<128x128xf32, #tpu.memory_space<vmem>> -> memref<16x128xf32, #tpu.memory_space<vmem>>
      %dma_wait3A_151 = arith.constant 0 : i32
      %dma_wait3A_152 = tpu.memref_slice %arg2[%add3A_124, %dma_wait3A_151] : memref<320000x128xf32, #tpu.memory_space<hbm>> -> memref<16x128xf32, #tpu.memory_space<hbm>>
      tpu.wait_dma2 semaphore(%run_scoped3A : memref<!tpu.dma_semaphore, #tpu.memory_space<semaphore_mem>>) src(%dma_wait3A_152 : memref<16x128xf32, #tpu.memory_space<hbm>>) dst(%dma_wait3A_150 : memref<16x128xf32, #tpu.memory_space<vmem>>)
      tpu.yield
    }) : () -> ()
    "tpu.region"() ({
      %run_scoped3A = tpu.sem_alloc : memref<!tpu.dma_semaphore, #tpu.memory_space<semaphore_mem>>
      %dma_start3A_133 = arith.constant 0 : i32
      %dma_start3A_134 = arith.constant 0 : i32
      %dma_start3A_135 = tpu.memref_slice %arg11[%dma_start3A_133, %dma_start3A_134] : memref<128x128xf32, #tpu.memory_space<vmem>> -> memref<16x128xf32, #tpu.memory_space<vmem>>
      %dma_start3A_136 = arith.constant 0 : i32
      %dma_start3A_137 = arith.constant 0 : i32
      %dma_start3A_138 = tpu.memref_slice %arg18[%dma_start3A_136, %dma_start3A_137] : memref<1024x128xf32, #tpu.memory_space<vmem_shared>> -> memref<1024x128xf32, #tpu.memory_space<vmem_shared>>
      tpu.enqueue_indirect_dma source(%dma_start3A_135 : memref<16x128xf32, #tpu.memory_space<vmem>>) target(%dma_start3A_138 : memref<1024x128xf32, #tpu.memory_space<vmem_shared>>) offsets(%arg17 : memref<16xi32, #tpu.memory_space<vmem>>) semaphore(%run_scoped3A : memref<!tpu.dma_semaphore, #tpu.memory_space<semaphore_mem>>) {add = true}
      %dma_wait3A_139 = arith.constant 0 : i32
      %dma_wait3A_140 = arith.constant 0 : i32
      %dma_wait3A_141 = tpu.memref_slice %arg11[%dma_wait3A_139, %dma_wait3A_140] : memref<128x128xf32, #tpu.memory_space<vmem>> -> memref<16x128xf32, #tpu.memory_space<vmem>>
      %dma_wait3A_142 = arith.constant 0 : i32
      %dma_wait3A_143 = arith.constant 0 : i32
      %dma_wait3A_144 = tpu.memref_slice %arg18[%dma_wait3A_142, %dma_wait3A_143] : memref<1024x128xf32, #tpu.memory_space<vmem_shared>> -> memref<1024x128xf32, #tpu.memory_space<vmem_shared>>
      tpu.wait_indirect_dma semaphore(%run_scoped3A : memref<!tpu.dma_semaphore, #tpu.memory_space<semaphore_mem>>) src(%dma_wait3A_141 : memref<16x128xf32, #tpu.memory_space<vmem>>) dst(%dma_wait3A_144 : memref<1024x128xf32, #tpu.memory_space<vmem_shared>>)
      tpu.yield
    }) : () -> ()
    %barrier3A_125 = arith.constant 0 : index
    tpu.barrier barrier_id(%barrier3A_125)
    %mul3A_126 = arith.constant 64 : i32
    %mul3A_127 = arith.muli %arg1, %mul3A_126 : i32
    %mul3A_128 = arith.constant 1024 : i32
    %mul3A_129 = arith.muli %arg0, %mul3A_128 : i32
    %mul3A_130 = arith.constant 64 : i32
    %mul3A_131 = arith.muli %arg1, %mul3A_130 : i32
    %add3A_132 = arith.addi %mul3A_129, %mul3A_131 : i32
    "tpu.region"() ({
      %run_scoped3A = tpu.sem_alloc : memref<!tpu.dma_semaphore, #tpu.memory_space<semaphore_mem>>
      %dma_start3A_133 = arith.constant 0 : i32
      %dma_start3A_134 = tpu.memref_slice %arg4[%add3A_132, %dma_start3A_133] : memref<2048x128xf32, #tpu.memory_space<hbm>> -> memref<64x128xf32, #tpu.memory_space<hbm>>
      %dma_start3A_135 = arith.constant 0 : i32
      %dma_start3A_136 = tpu.memref_slice %arg18[%mul3A_127, %dma_start3A_135] : memref<1024x128xf32, #tpu.memory_space<vmem_shared>> -> memref<64x128xf32, #tpu.memory_space<vmem_shared>>
      tpu.enqueue_dma source(%dma_start3A_136 : memref<64x128xf32, #tpu.memory_space<vmem_shared>>) target(%dma_start3A_134 : memref<64x128xf32, #tpu.memory_space<hbm>>) target_semaphore(%run_scoped3A : memref<!tpu.dma_semaphore, #tpu.memory_space<semaphore_mem>>)
      %dma_wait3A_137 = arith.constant 0 : i32
      %dma_wait3A_138 = tpu.memref_slice %arg4[%add3A_132, %dma_wait3A_137] : memref<2048x128xf32, #tpu.memory_space<hbm>> -> memref<64x128xf32, #tpu.memory_space<hbm>>
      %dma_wait3A_139 = arith.constant 0 : i32
      %dma_wait3A_140 = tpu.memref_slice %arg18[%mul3A_127, %dma_wait3A_139] : memref<1024x128xf32, #tpu.memory_space<vmem_shared>> -> memref<64x128xf32, #tpu.memory_space<vmem_shared>>
      tpu.wait_dma2 semaphore(%run_scoped3A : memref<!tpu.dma_semaphore, #tpu.memory_space<semaphore_mem>>) src(%dma_wait3A_140 : memref<64x128xf32, #tpu.memory_space<vmem_shared>>) dst(%dma_wait3A_138 : memref<64x128xf32, #tpu.memory_space<hbm>>)
      tpu.yield
    }) : () -> ()
    return
  }
}

module attributes {stable_mosaic.version = 14 : i64} {
  func.func @_add2_body(%arg0: memref<1024x128xf32, #tpu.memory_space<vmem>>, %arg1: memref<1024x128xf32, #tpu.memory_space<vmem>>, %arg2: memref<1024x128xf32, #tpu.memory_space<vmem>>) attributes {dimension_semantics = [], scalar_prefetch = 0 : i64, scratch_operands = 0 : i64, tpu.core_type = #tpu.core_type<tc>} {
    %get3A = arith.constant 0 : index
    %get3A_0 = arith.constant 0 : index
    %get3A_1 = vector.load %arg0[%get3A, %get3A_0] : memref<1024x128xf32, #tpu.memory_space<vmem>>, vector<1024x128xf32>
    %get3A_2 = arith.constant 0 : index
    %get3A_3 = arith.constant 0 : index
    %get3A_4 = vector.load %arg1[%get3A_2, %get3A_3] : memref<1024x128xf32, #tpu.memory_space<vmem>>, vector<1024x128xf32>
    %add3A = arith.addf %get3A_1, %get3A_4 : vector<1024x128xf32>
    %swap3A = arith.constant 0 : index
    %swap3A_5 = arith.constant 0 : index
    %swap3A_6 = vector.load %arg2[%swap3A, %swap3A_5] : memref<1024x128xf32, #tpu.memory_space<vmem>>, vector<1024x128xf32>
    tpu.vector_store %arg2[%swap3A, %swap3A_5], %add3A {strides = array<i32>} : memref<1024x128xf32, #tpu.memory_space<vmem>>, vector<1024x128xf32>,
    return
  }
}

</mosaic_0001>

<sc_bundles>
// kernel: kernel.4.cloned.1.call-start
scs
__scs_entry_jumppad:
0x0: {  	(pc) =	sbr.rel $0x88, $3  }
0x1: {  	(tag) =	ssettag $0x0;
	lr =	simm.s32 $0x1  }
0x2: {  	[smem:$0x3F9F] =	sst lr;
	_ =	strace $0xD0000000  }
0x3: {  	_ = 	snop  }
0x4: {  	_ = 	snop  }
0x5: {  	_ = 	snop  }
0x6: {  	_ = 	snop  }
0x7: {  	_ = 	snop  }
__scs_overlays_trampoline_lowered:
0x8: {  	[smem:$0x3FAE] =	sst s0  }
0x9: {  	[smem:$0x3FAF] =	sst s1  }
0xa: {  	[smem:$0x3FB0] =	sst s2  }
0xb: {  	[smem:$0x3FB1] =	sst s3  }
0xc: {  	[smem:$0x3FB2] =	sst s4  }
0xd: {  	[smem:$0x3FB3] =	sst s5  }
0xe: {  	[smem:$0x3FB4] =	sst s6  }
0xf: {  	[smem:$0x3FB5] =	sst s7  }
0x10: {  	[smem:$0x3FB6] =	sst s8  }
0x11: {  	[smem:$0x3FB7] =	sst s9;
	s0 =	simm.s32 @!p0 $0x0  }
0x12: {  	s1 =	sld [smem:$0x3F9D];
	s0 =	simm.s32 @p0 $0x1  }
0x13: {  	[smem:$0x3FB8] =	sst s0;
	s0 =	simm.s32 @!p1 $0x0  }
0x14: {  	s2 =	sld [smem:$0x3F9C];
	s0 =	simm.s32 @p1 $0x1  }
0x15: {  	[smem:$0x3FB9] =	sst s0;
	s0 =	simm.s32 @!p2 $0x0  }
0x16: {  	s3 =	sld [smem:$0x3FDB];
	s0 =	simm.s32 @p2 $0x1  }
0x17: {  	s4 =	simm.s32 $0x1BF5;
	[smem:$0x3FBB] =	sst s0  }
0x18: {  	s0 =	sld [smem:$0x3F9E];
	_ =	swait.ge [sflag:s4], $0x0  }
0x19: {  	s7 =	sld [smem:$0x3F9F]  }
0x1a: {  	s8 =	sadd.s32 $0xFFFFE003, lr  }
0x1b: {  	s9 =	sadd.s32 $0xFFFFFEF7, lr;
	s5 =	simm.s32 $0xFFFFFFFF;
	p2 =	slt.u32 s8, $0xFFFFF086  }
0x1c: {  	p1 =	slt.u32 s9, $0xF7A;
	s5 =	simm.s32 @!p2 $0x0  }
0x1d: {  	s5 =	simm.s32 @p1 $0x1;
	p0 =	seq.s32 s7, s2  }
0x1e: {  	s7 =	smul.u32 @!p0 $0xF7A, s2;
	p2 =	seq.s32 @!p0 s5, $0x0  }
0x1f: {  	s9 =	smul.u32 $0xF7A, s1;
	s8 =	simm.s32 @!p0 $0x1BF5;
	p2 =	por !p2, p0  }
0x20: {  	[sflag:s8] =	ssyncset.s32 @!p0 $0xFFFFF086;
	s6 =	sadd.s32 @!p0 s3, s7;
	s7 =	simm.s32 @!p0 $0x108  }
0x21: {  	s3 =	sadd.s32 s3, s9;
	s6 =	sadd.s32 @!p0 $0x88, s6;
	s7 =	simm.s32 @p2 $0x1082  }
0x22: {  	[simem:s7], [sflag:s8] =	dma.local @!p0 [hbm:s6], $0xF7A  }
0x23: {  	s9 =	sor.u32 $0xD0000000, s2;
	s6 =	simm.s32 $0x108;
	_ =	swait.ge @!p0 [sflag:s8], $0x0  }
0x24: {  	s3 =	sadd.s32 $0x88, s3;
	s6 =	simm.s32 @!p1 $0x1082;
	[sflag:s4] =	ssyncset.s32 $0xFFFFF086  }
0x25: {  	[simem:s6], [sflag:s4] =	dma.local [hbm:s3], $0xF7A  }
0x26: {  	[smem:$0x3F9F] =	sst s1;
	(tag) =	ssettag s2;
	_ =	strace s9  }
0x27: {  	s1 =	sld [smem:$0x3FAF]  }
0x28: {  	s2 =	sld [smem:$0x3FB0]  }
0x29: {  	s4 =	sld [smem:$0x3FB2]  }
0x2a: {  	p0 =	seq.s32 s5, $0x0;
	s5 =	sld [smem:$0x3FB3]  }
0x2b: {  	s6 =	sld [smem:$0x3FB4]  }
0x2c: {  	s7 =	sld [smem:$0x3FB5]  }
0x2d: {  	s3 =	simm.s32 $0x108;
	s8 =	sld [smem:$0x3FB6]  }
0x2e: {  	s3 =	simm.s32 @!p0 $0x1082;
	s9 =	sld [smem:$0x3FB7]  }
0x2f: {  	lr =	sadd.s32 s0, s3;
	s0 =	sld [smem:$0x3FAE]  }
0x30: {  	s3 =	sld [smem:$0x3FB1]  }
0x31: {  	[smem:$0x3FBA] =	sst s10  }
0x32: {  	s10 =	sld [smem:$0x3FB8];
	_ =	sdelay $0x3  }
0x33: {  	p0 =	seq.s32 s10, $0x1;
	s10 =	sld [smem:$0x3FBA];
	_ =	sdelay $0x3  }
0x34: {  	[smem:$0x3FBA] =	sst s10  }
0x35: {  	s10 =	sld [smem:$0x3FB9];
	_ =	sdelay $0x3  }
0x36: {  	p1 =	seq.s32 s10, $0x1;
	s10 =	sld [smem:$0x3FBA];
	_ =	sdelay $0x3  }
0x37: {  	[smem:$0x3FBA] =	sst s10  }
0x38: {  	s10 =	sld [smem:$0x3FBB]  }
0x39: {  	_ = 	snop;
	(pc) =	sbr.ind lr, $3  }
0x3a: {  	_ = 	snop  }
0x3b: {  	_ = 	snop  }
0x3c: {  	p2 =	seq.s32 s10, $0x1;
	s10 =	sld [smem:$0x3FBA]  }
0x3d: {  	_ =	shalt  }
0x3e: {  	_ =	shalt  }
0x3f: {  	_ =	shalt  }
0x40: {  	_ =	shalt  }
0x41: {  	_ =	shalt  }
0x42: {  	_ =	shalt  }
0x43: {  	_ =	shalt  }
0x44: {  	_ =	shalt  }
0x45: {  	_ =	shalt  }
0x46: {  	_ =	shalt  }
0x47: {  	_ =	shalt  }
0x48: {  	_ =	shalt  }
0x49: {  	_ =	shalt  }
0x4a: {  	_ =	shalt  }
0x4b: {  	_ =	shalt  }
0x4c: {  	_ =	shalt  }
0x4d: {  	_ =	shalt  }
0x4e: {  	_ =	shalt  }
0x4f: {  	_ =	shalt  }
0x50: {  	_ =	shalt  }
0x51: {  	_ =	shalt  }
0x52: {  	_ =	shalt  }
0x53: {  	_ =	shalt  }
0x54: {  	_ =	shalt  }
0x55: {  	_ =	shalt  }
0x56: {  	_ =	shalt  }
0x57: {  	_ =	shalt  }
0x58: {  	_ =	shalt  }
0x59: {  	_ =	shalt  }
0x5a: {  	_ =	shalt  }
0x5b: {  	_ =	shalt  }
0x5c: {  	_ =	shalt  }
0x5d: {  	_ =	shalt  }
0x5e: {  	_ =	shalt  }
0x5f: {  	_ =	shalt  }
0x60: {  	_ =	shalt  }
0x61: {  	_ =	shalt  }
0x62: {  	_ =	shalt  }
0x63: {  	_ =	shalt  }
0x64: {  	_ =	shalt  }
0x65: {  	_ =	shalt  }
0x66: {  	_ =	shalt  }
0x67: {  	_ =	shalt  }
0x68: {  	_ =	shalt  }
0x69: {  	_ =	shalt  }
0x6a: {  	_ =	shalt  }
0x6b: {  	_ =	shalt  }
0x6c: {  	_ =	shalt  }
0x6d: {  	_ =	shalt  }
0x6e: {  	_ =	shalt  }
0x6f: {  	_ =	shalt  }
0x70: {  	_ =	shalt  }
0x71: {  	_ =	shalt  }
0x72: {  	_ =	shalt  }
0x73: {  	_ =	shalt  }
0x74: {  	_ =	shalt  }
0x75: {  	_ =	shalt  }
0x76: {  	_ =	shalt  }
0x77: {  	_ =	shalt  }
0x78: {  	_ =	shalt  }
0x79: {  	_ =	shalt  }
0x7a: {  	_ =	shalt  }
0x7b: {  	_ =	shalt  }
0x7c: {  	_ =	shalt  }
0x7d: {  	_ =	shalt  }
0x7e: {  	_ =	shalt  }
0x7f: {  	_ =	shalt  }
0x80: {  	_ =	shalt  }
0x81: {  	_ =	shalt  }
0x82: {  	_ =	shalt  }
0x83: {  	_ =	shalt  }
0x84: {  	_ =	shalt  }
0x85: {  	_ =	shalt  }
0x86: {  	_ =	shalt  }
0x87: {  	_ =	shalt  }
.Lfunc_end0:
.L_simem_size_0:
called_computation_lowered:
.L_overlay_start_0:
0x88: {  	s2 =	sld [smem:$0x3FD9]  }
0x89: {  	s3 =	sld [smem:$0x3FFE];
	_ =	sdelay $0x1  }
0x8a: {  	s1 =	srdreg.scid  }
0x8b: {  	s0 =	sand.u32 $0x1, s1  }
0x8c: {  	s17 =	sshll.u32 s0, $0xA;
	s2 =	sadd.s32 s3, s2  }
0x8d: {  	s2 =	sadd.s32 s2, s17  }
0x8e: {  	[smem:$0x3FC6] =	sst s2  }
0x8f: {  	_ = 	snop  }
0x90: {  	s2 =	sld [smem:$0x3FC9]  }
0x91: {  	s18 =	sld [smem:$0x3FC8];
	(tm) =	ssettm $0x1  }
0x92: {  	s4 =	sld [smem:$0x3FFB];
	_ =	sdelay $0x3  }
0x93: {  	_ =	strace s4  }
0x94: {  	s4 =	sld [smem:$0x3FFC];
	_ =	sdelay $0x3  }
0x95: {  	_ =	strace s4  }
0x96: {  	s4 =	sld [smem:$0x3FFD];
	_ =	sdelay $0x3  }
0x97: {  	_ =	strace s4  }
0x98: {  	_ =	strace $0x8FFFFFFF  }
0x99: {  	s19 =	sld [smem:$0x3FDB];
	_ =	sdelay $0x1  }
0x9a: {  	s5 =	simm.s32 $_scs_section_size  }
0x9b: {  	s6 =	simm.s32 $_size__tile_overlayer_lowered;
	s7 =	simm.s32 $_tile_overlayer_lowered  }
0x9c: {  	s22 =	simm.s32 $0x1BFF;
	s21 =	sshll.u32 s7, $0x1;
	s4 =	sadd.s32 s5, s19  }
0x9d: {  	s8 =	simm.s32 $0x0;
	s20 =	sshll.u32 s6, $0x1;
	s6 =	sadd.s32 s21, s4  }
0x9e: {  	[timem:s8], [sflag:s22] =	dma.local [hbm:s6], s20  }
0x9f: {  	_ =	swait.ge [sflag:s22], s20  }
0xa0: {  	s5 =	ssub.s32 $0x0, s20;
	[sflag:s22] =	ssyncset.done $0x0  }
0xa1: {  	[sflag:s22] =	ssyncadd.s32 s5;
	_ =	sdelay $0x1  }
0xa2: {  	s23 =	simm.s32 $0x1B8B  }
0xa3: {  	_ =	swait.ge [sflag:s23], $0x1  }
0xa4: {  	[sflag:s23] =	ssyncset.done $0x0  }
0xa5: {  	s25 =	simm.s32 $0x1B8E;
	s24 =	sld [smem:$0x3FFE];
	[sflag:s23] =	ssyncadd.s32 $0xFFFFFFFF  }
0xa6: {  	s26 =	simm.s32 $execute0_lowered;
	[smem:$0x3FD2] =	sst s25  }
0xa7: {  	s6 =	sshll.u32 s26, $0x1;
	_ =	strace $0x80000046;
	[dreg:$0x1] =	wrdreg $0xFFFFFFFF  }
0xa8: {  	s28 =	simm.s32 $_size_execute0_lowered;
	s4 =	sadd.s32 s4, s6;
	[dreg:$0x0] =	wrdreg $0x0  }
0xa9: {  	s6 =	sshll.u32 s28, $0x1;
	[dreg:$0x2] =	wrdreg s4  }
0xaa: {  	[dreg:$0x3] =	wrdreg s6  }
0xab: {  	[dreg:$0x4] =	wrdreg $0xC0  }
0xac: {  	_ =	task [dreg:s8], $0x5FFFF  }
0xad: {  	[dreg:$0x1] =	wrdreg $0xFFFFFFFF  }
0xae: {  	[dreg:$0x0] =	wrdreg $0x60  }
0xaf: {  	[dreg:$0x2] =	wrdreg s2  }
0xb0: {  	[dreg:$0x3] =	wrdreg s18  }
0xb1: {  	[dreg:$0x4] =	wrdreg s24  }
0xb2: {  	[dreg:$0x5] =	wrdreg $0x183800  }
0xb3: {  	[dreg:$0x6] =	wrdreg $0x9  }
0xb4: {  	_ =	task.clear_ibuf [dreg:s8], $0x7FFFF;
	_ =	strace $0x90000046  }
0xb5: {  	s29 =	simm.s32 $0x9;
	_ =	strace $0x80000048  }
0xb6: {  	_ =	swait.ge [sflag:s29], $0x1  }
0xb7: {  	[sflag:s29] =	ssyncadd.s32 $0xFFFFFFFF  }
0xb8: {  	_ =	strace $0x90000048  }
0xb9: {  	_ =	sfence  }
0xba: {  	s30 =	sld [smem:$0x0];
	_ =	sdelay $0x2  }
0xbb: {  	s31 =	sshll.u32 s1, $0xD;
	s1 =	sshrl.u32 s1, $0x2  }
0xbc: {  	s3 =	sand.u32 $0x4000, s31;
	s1 =	sadd.s32 s1, s30  }
0xbd: {  	s0 =	sor.u32 s3, s0;
	s1 =	sshll.u32 s1, $0x11  }
0xbe: {  	s0 =	sor.u32 s1, s0  }
0xbf: {  	s0 =	sadd.s32 $0x8F2B, s0  }
0xc0: {  	[sflag:s0] =	ssyncadd.remote.s32 $0x1  }
0xc1: {  	_ =	sfence.sel $0xFFFF  }
0xc2: {  	[dreg:$0x0] =	wrdreg $0xFFFFFFFF;
	(pc) =	sbr.abs _section_cstart, $3  }
0xc3: {  	[dreg:$0x1] =	wrdreg $0xFFFFFFFF  }
0xc4: {  	_ =	task.clear_ibuf [dreg:s8], $0x2FFFF;
	_ =	strace $0x9FFFFFFF  }
0xc5: {  	(tm) =	ssettm $0x7FFFFFFF  }
tec
execute0_lowered:
.L_overlay_start_1:
0x0: {  	(tag) =	ssettag $0x1  }
0x1: {  	s1 =	rddreg [dreg:$0x0]  }
0x2: {  	s2 =	rddreg [dreg:$0x1]  }
0x3: {  	s0 =	rddreg [dreg:$0x2]  }
0x4: {  	s3 =	rddreg [dreg:$0x3];
	s4 =	srdreg.scid;
	s5 =	simm.s32 $0x0  }
0x5: {  	s10 =	stileid.u32;
	s28 =	simm.s32 $0x100;
	s29 =	simm.s32 $0x8300  }
0x6: {  	s30 =	simm.s32 $0x180;
	s31 =	simm.s32 $0xC300;
	s4 =	sand.u32 $0x1, s4  }
0x7: {  	[smem:$0x7FF] =	sst s5;
	s7 =	sshll.u32 s10, $0xA;
	s6 =	sshll.u32 s4, $0x4  }
0x8: {  	_ =	strace $0x80000047;
	s0 =	sadd.s32 s7, s0;
	s16 =	ssub.s32 $0x2, s4  }
0x9: {  	s4 =	sshll.u32 s4, $0xE;
	s6 =	sor.u32 s10, s6;
	s9 =	sshrl.u32 s16, $0x1  }
0xa: {  	s10 =	sshll.u32 s10, $0xD;
	s0 =	sadd.s32 s4, s0;
	s8 =	smul.u32 $0x2710, s6  }
0xb: {  	s4 =	simm.s32 $0x10300;
	s6 =	smul.u32 $0x27100, s6;
	s17 =	sadd.s32 s10, s3  }
0xc: {  	s7 =	ssub.s32 s16, s9;
	s0 =	sadd.s32 $0x600, s0;
	[dreg:$0xb] =	wrdreg s17  }
0xd: {  	[dreg:$0x1a] =	wrdreg s0;
	s0 =	simm.s32 $0x200;
	s18 =	sshrl.u32 s8, $0x3  }
0xe: {  	s6 =	sadd.s32 s1, s6;
	s19 =	sadd.s32 $0x80, s8;
	s21 =	sadd.s32 $0x100, s8  }
0xf: {  	s24 =	sadd.s32 $0x180, s8;
	s26 =	sadd.s32 $0x200, s8;
	s15 =	sadd.s32 $0x280, s8  }
0x10: {  	s16 =	sadd.s32 $0x300, s8;
	s9 =	sadd.s32 s2, s18;
	[dreg:$0xd] =	wrdreg s6  }
0x11: {  	s20 =	sshrl.u32 s19, $0x3;
	s6 =	sshll.u32 s19, $0x4;
	s22 =	sshrl.u32 s21, $0x3  }
0x12: {  	s23 =	sshll.u32 s21, $0x4;
	s25 =	sshrl.u32 s24, $0x3;
	s11 =	sshll.u32 s24, $0x4  }
0x13: {  	s12 =	sshrl.u32 s26, $0x3;
	s14 =	sshll.u32 s26, $0x4;
	[dreg:$0x5] =	wrdreg s16  }
0x14: {  	s17 =	sshrl.u32 s15, $0x3;
	s18 =	sadd.s32 $0x380, s8;
	[dreg:$0xc] =	wrdreg s9  }
0x15: {  	s19 =	sadd.s32 $0x400, s8;
	s21 =	sadd.s32 $0x500, s8;
	[dreg:$0x6] =	wrdreg s18  }
0x16: {  	s26 =	smax.u32 s7, $0x1;
	s7 =	simm.s32 $0x280;
	[dreg:$0x7] =	wrdreg s19  }
0x17: {  	s16 =	simm.s32 $0xA;
	s9 =	sadd.s32 s2, s20;
	[dreg:$0x9] =	wrdreg s21  }
0x18: {  	s6 =	sadd.s32 s1, s6;
	s13 =	sadd.s32 s2, s12;
	[dreg:$0x1b] =	wrdreg s26  }
0x19: {  	s10 =	sadd.s32 s2, s17;
	s20 =	sadd.s32 $0x480, s8;
	[dreg:$0xe] =	wrdreg s9  }
0x1a: {  	s26 =	simm.s32 $0x4300;
	s12 =	simm.s32 $0x8;
	[dreg:$0xf] =	wrdreg s6  }
0x1b: {  	s17 =	simm.s32 $0x5;
	s18 =	simm.s32 $0xB;
	[dreg:$0x14] =	wrdreg s13  }
0x1c: {  	s19 =	simm.s32 $0x6;
	s21 =	simm.s32 $0x0;
	[dreg:$0x16] =	wrdreg s10  }
0x1d: {  	s6 =	sadd.s32 s2, s22;
	[dreg:$0x8] =	wrdreg s20;
	s22 =	sadd.s32 $0x580, s8  }
0x1e: {  	s8 =	sadd.s32 $0x2700, s8;
	s9 =	simm.s32 $0x1;
	s10 =	simm.s32 $0x7  }
0x1f: {  	s13 =	simm.s32 $0x3;
	s20 =	simm.s32 $0xC;
	[dreg:$0x10] =	wrdreg s6  }
0x20: {  	s6 =	sadd.s32 s1, s23;
	[dreg:$0xa] =	wrdreg s22;
	s23 =	sshrl.u32 s8, $0x3  }
0x21: {  	s24 =	sshll.u32 s8, $0x4;
	[dreg:$0x11] =	wrdreg s6;
	s6 =	sadd.s32 s2, s25  }
0x22: {  	s8 =	simm.s32 $0x14300;
	[dreg:$0x12] =	wrdreg s6;
	s6 =	sadd.s32 s1, s11  }
0x23: {  	s25 =	sadd.s32 s1, s24;
	[dreg:$0x13] =	wrdreg s6;
	s6 =	sadd.s32 s1, s14  }
0x24: {  	s24 =	simm.s32 $0xD;
	[dreg:$0x15] =	wrdreg s6;
	s6 =	sshll.u32 s15, $0x4  }
0x25: {  	[dreg:$0x19] =	wrdreg s25;
	s25 =	simm.s32 $0x80;
	s6 =	sadd.s32 s1, s6  }
0x26: {  	s11 =	simm.s32 $0x2;
	[dreg:$0x17] =	wrdreg s6;
	s6 =	sadd.s32 s2, s23  }
0x27: {  	v0 =	vimm.f32 $0.0e+00;
	s14 =	simm.s32 $0x9;
	s15 =	simm.s32 $0x4;
	[dreg:$0x18] =	wrdreg s6  }
.LBB2_1:
0x28: {  	s6 =	sand.u32 $0x7E00, s5  }
0x29: {  	[dreg:$0x1c] =	wrdreg s21;
	s23 =	sand.u32 $0x70, s5;
	s22 =	sshrl.u32 s6, $0x2  }
0x2a: {  	s21 =	simm.s32 $0x0;
	s6 =	simm.s32 $0x40;
	s22 =	sor.u32 s23, s22  }
.LBB2_2:
0x2b: {  	p0 =	sne.s32 s6, $0x7FC0  }
0x2c: {  	[tilespmem:s22+$0x300] =	vst v0;
	s21 =	sadd.s32 $0x10, s21;
	s22 =	smov.u32 s6;
	s6 =	sadd.s32 $0x40, s6  }
.Ltmp0:
0x2d: {  	(pc) =	sbr.rel @p0 .LBB2_2-.Ltmp0, $4  }
0x2e: {  	_ = 	snop  }
0x2f: {  	s22 =	sand.u32 $0x7E00, s22  }
0x30: {  	s23 =	sand.u32 $0x70, s21;
	s22 =	sshrl.u32 s22, $0x2  }
0x31: {  	s22 =	sor.u32 s23, s22  }
0x32: {  	[tilespmem:s22+$0x300] =	vst v0;
	s6 =	rddreg [dreg:$0xb];
	s23 =	simm.s32 $0x300  }
0x33: {  	[spmem:s6] =	stream.linear.scatter [tilespmem:s23], [sflag:$0xD], $0x2000, $0x38;
	[tilespmem:$0x1A380] =	vst v63  }
0x34: {  	_ =	swait.ge [sflag:s24], $0x2000  }
0x35: {  	[sflag:s24] =	ssyncset.done $0x0  }
0x36: {  	[sflag:s24] =	ssyncadd.s32 $0xFFFFE000  }
0x37: {  	[bflag:$0x0] =	sbarrier.arrive $0xFFFF  }
0x38: {  	s6 =	simm.s32 $0x0;
	s21 =	rddreg [dreg:$0xc]  }
0x39: {  	[tilespmem:s6], [sflag:$0x1] =	stream.linear.gather [hbm4b:s21+s6], $0x80, $0x38;
	[tilespmem:$0x1A380] =	vst v63  }
0x3a: {  	s22 =	rddreg [dreg:$0xd]  }
0x3b: {  	[tilespmem:s23], [sflag:$0x7] =	stream.linear.gather [hbm4b:s22+s6], $0x4000, $0x38;
	[tilespmem:$0x1A380] =	vst v63  }
0x3c: {  	s22 =	rddreg [dreg:$0xe]  }
0x3d: {  	[tilespmem:s25], [sflag:$0x2] =	stream.linear.gather [hbm4b:s22+s6], $0x80, $0x38;
	[tilespmem:$0x1A380] =	vst v63  }
0x3e: {  	s22 =	rddreg [dreg:$0xf]  }
0x3f: {  	[tilespmem:s26], [sflag:$0x8] =	stream.linear.gather [hbm4b:s22+s6], $0x4000, $0x38;
	[tilespmem:$0x1A380] =	vst v63  }
0x40: {  	s22 =	rddreg [dreg:$0x10]  }
0x41: {  	[tilespmem:s28], [sflag:$0x3] =	stream.linear.gather [hbm4b:s22+s6], $0x80, $0x38;
	[tilespmem:$0x1A380] =	vst v63  }
0x42: {  	s22 =	rddreg [dreg:$0x11]  }
0x43: {  	[tilespmem:s29], [sflag:$0x9] =	stream.linear.gather [hbm4b:s22+s6], $0x4000, $0x38;
	[tilespmem:$0x1A380] =	vst v63  }
0x44: {  	s22 =	rddreg [dreg:$0x12]  }
0x45: {  	[tilespmem:s30], [sflag:$0x4] =	stream.linear.gather [hbm4b:s22+s6], $0x80, $0x38;
	[tilespmem:$0x1A380] =	vst v63  }
0x46: {  	s22 =	rddreg [dreg:$0x13]  }
0x47: {  	[tilespmem:s31], [sflag:$0xA] =	stream.linear.gather [hbm4b:s22+s6], $0x4000, $0x38;
	[tilespmem:$0x1A380] =	vst v63  }
0x48: {  	s22 =	rddreg [dreg:$0x14]  }
0x49: {  	[tilespmem:s0], [sflag:$0x5] =	stream.linear.gather [hbm4b:s22+s6], $0x80, $0x38;
	[tilespmem:$0x1A380] =	vst v63  }
0x4a: {  	s22 =	rddreg [dreg:$0x15]  }
0x4b: {  	[tilespmem:s4], [sflag:$0xB] =	stream.linear.gather [hbm4b:s22+s6], $0x4000, $0x38;
	[tilespmem:$0x1A380] =	vst v63  }
0x4c: {  	s22 =	rddreg [dreg:$0x16]  }
0x4d: {  	[tilespmem:s7], [sflag:$0x6] =	stream.linear.gather [hbm4b:s22+s6], $0x80, $0x38;
	[tilespmem:$0x1A380] =	vst v63  }
0x4e: {  	s22 =	rddreg [dreg:$0x17]  }
0x4f: {  	[tilespmem:s8], [sflag:$0xC] =	stream.linear.gather [hbm4b:s22+s6], $0x4000, $0x38;
	[tilespmem:$0x1A380] =	vst v63  }
0x50: {  	_ =	swait.ge [sflag:s9], $0x80  }
0x51: {  	[sflag:s9] =	ssyncset.done $0x0  }
0x52: {  	[sflag:s9] =	ssyncadd.s32 $0xFFFFFF80  }
0x53: {  	_ =	swait.ge [sflag:s10], $0x4000  }
0x54: {  	[sflag:s10] =	ssyncset.done $0x0  }
0x55: {  	[sflag:s10] =	ssyncadd.s32 $0xFFFFC000  }
0x56: {  	[spmem:s3] =	stream.indirect.scatter.add.f32 [tilespmem:s23], [sflag:$0xD], $0x80, s5, s25, $0xb8;
	[tilespmem:$0x1A380] =	vst v63  }
0x57: {  	s22 =	smin.u32 s6, $0x47;
	_ =	swait.ge [sflag:s24], $0x4000  }
0x58: {  	s22 =	sshll.u32 s22, $0x7;
	s21 =	rddreg [dreg:$0x5]  }
0x59: {  	s21 =	sadd.s32 s22, s21  }
0x5a: {  	[sflag:s24] =	ssyncset.done $0x0;
	s22 =	sshrl.u32 s21, $0x3  }
0x5b: {  	[sflag:s24] =	ssyncadd.s32 $0xFFFFC000;
	s21 =	sshll.u32 s21, $0x4;
	s22 =	sadd.s32 s2, s22  }
0x5c: {  	[tilespmem:s5], [sflag:$0x1] =	stream.linear.gather [hbm4b:s22+s5], $0x80, $0x38;
	[tilespmem:$0x1A380] =	vst v63  }
0x5d: {  	s21 =	sadd.s32 s1, s21  }
0x5e: {  	[tilespmem:s23], [sflag:$0x7] =	stream.linear.gather [hbm4b:s21+s5], $0x4000, $0x38;
	[tilespmem:$0x1A380] =	vst v63  }
0x5f: {  	_ =	swait.ge [sflag:s11], $0x80  }
0x60: {  	[sflag:s11] =	ssyncset.done $0x0  }
0x61: {  	[sflag:s11] =	ssyncadd.s32 $0xFFFFFF80  }
0x62: {  	_ =	swait.ge [sflag:s12], $0x4000  }
0x63: {  	[sflag:s12] =	ssyncset.done $0x0  }
0x64: {  	[sflag:s12] =	ssyncadd.s32 $0xFFFFC000  }
0x65: {  	[spmem:s3] =	stream.indirect.scatter.add.f32 [tilespmem:s26], [sflag:$0xD], $0x80, s25, s25, $0xb8;
	[tilespmem:$0x1A380] =	vst v63  }
0x66: {  	s22 =	smin.u32 s6, $0x46;
	_ =	swait.ge [sflag:s24], $0x4000  }
0x67: {  	s22 =	sshll.u32 s22, $0x7;
	s21 =	rddreg [dreg:$0x6]  }
0x68: {  	s21 =	sadd.s32 s22, s21  }
0x69: {  	[sflag:s24] =	ssyncset.done $0x0;
	s22 =	sshrl.u32 s21, $0x3  }
0x6a: {  	[sflag:s24] =	ssyncadd.s32 $0xFFFFC000;
	s21 =	sshll.u32 s21, $0x4;
	s22 =	sadd.s32 s2, s22  }
0x6b: {  	[tilespmem:s25], [sflag:$0x2] =	stream.linear.gather [hbm4b:s22+s5], $0x80, $0x38;
	[tilespmem:$0x1A380] =	vst v63  }
0x6c: {  	s21 =	sadd.s32 s1, s21  }
0x6d: {  	[tilespmem:s26], [sflag:$0x8] =	stream.linear.gather [hbm4b:s21+s5], $0x4000, $0x38;
	[tilespmem:$0x1A380] =	vst v63  }
0x6e: {  	_ =	swait.ge [sflag:s13], $0x80  }
0x6f: {  	[sflag:s13] =	ssyncset.done $0x0  }
0x70: {  	[sflag:s13] =	ssyncadd.s32 $0xFFFFFF80  }
0x71: {  	_ =	swait.ge [sflag:s14], $0x4000  }
0x72: {  	[sflag:s14] =	ssyncset.done $0x0  }
0x73: {  	[sflag:s14] =	ssyncadd.s32 $0xFFFFC000  }
0x74: {  	[spmem:s3] =	stream.indirect.scatter.add.f32 [tilespmem:s29], [sflag:$0xD], $0x80, s28, s25, $0xb8;
	[tilespmem:$0x1A380] =	vst v63  }
0x75: {  	s26 =	smin.u32 s6, $0x45;
	_ =	swait.ge [sflag:s24], $0x4000  }
0x76: {  	s22 =	sshll.u32 s26, $0x7;
	s21 =	rddreg [dreg:$0x7]  }
0x77: {  	s21 =	sadd.s32 s22, s21  }
0x78: {  	[sflag:s24] =	ssyncset.done $0x0;
	s22 =	sshrl.u32 s21, $0x3  }
0x79: {  	[sflag:s24] =	ssyncadd.s32 $0xFFFFC000;
	s21 =	sshll.u32 s21, $0x4;
	s22 =	sadd.s32 s2, s22  }
0x7a: {  	[tilespmem:s28], [sflag:$0x3] =	stream.linear.gather [hbm4b:s22+s5], $0x80, $0x38;
	[tilespmem:$0x1A380] =	vst v63  }
0x7b: {  	s21 =	sadd.s32 s1, s21  }
0x7c: {  	[tilespmem:s29], [sflag:$0x9] =	stream.linear.gather [hbm4b:s21+s5], $0x4000, $0x38;
	[tilespmem:$0x1A380] =	vst v63  }
0x7d: {  	_ =	swait.ge [sflag:s15], $0x80  }
0x7e: {  	[sflag:s15] =	ssyncset.done $0x0  }
0x7f: {  	[sflag:s15] =	ssyncadd.s32 $0xFFFFFF80  }
0x80: {  	_ =	swait.ge [sflag:s16], $0x4000  }
0x81: {  	[sflag:s16] =	ssyncset.done $0x0  }
0x82: {  	[sflag:s16] =	ssyncadd.s32 $0xFFFFC000  }
0x83: {  	[spmem:s3] =	stream.indirect.scatter.add.f32 [tilespmem:s31], [sflag:$0xD], $0x80, s30, s25, $0xb8;
	[tilespmem:$0x1A380] =	vst v63  }
0x84: {  	s26 =	smin.u32 s6, $0x44;
	_ =	swait.ge [sflag:s24], $0x4000  }
0x85: {  	s22 =	sshll.u32 s26, $0x7;
	s21 =	rddreg [dreg:$0x8]  }
0x86: {  	s21 =	sadd.s32 s22, s21  }
0x87: {  	[sflag:s24] =	ssyncset.done $0x0;
	s22 =	sshrl.u32 s21, $0x3  }
0x88: {  	[sflag:s24] =	ssyncadd.s32 $0xFFFFC000;
	s21 =	sshll.u32 s21, $0x4;
	s22 =	sadd.s32 s2, s22  }
0x89: {  	[tilespmem:s30], [sflag:$0x4] =	stream.linear.gather [hbm4b:s22+s5], $0x80, $0x38;
	[tilespmem:$0x1A380] =	vst v63  }
0x8a: {  	s21 =	sadd.s32 s1, s21  }
0x8b: {  	[tilespmem:s31], [sflag:$0xA] =	stream.linear.gather [hbm4b:s21+s5], $0x4000, $0x38;
	[tilespmem:$0x1A380] =	vst v63  }
0x8c: {  	_ =	swait.ge [sflag:s17], $0x80  }
0x8d: {  	[sflag:s17] =	ssyncset.done $0x0  }
0x8e: {  	[sflag:s17] =	ssyncadd.s32 $0xFFFFFF80  }
0x8f: {  	_ =	swait.ge [sflag:s18], $0x4000  }
0x90: {  	[sflag:s18] =	ssyncset.done $0x0  }
0x91: {  	[sflag:s18] =	ssyncadd.s32 $0xFFFFC000  }
0x92: {  	[spmem:s3] =	stream.indirect.scatter.add.f32 [tilespmem:s4], [sflag:$0xD], $0x80, s0, s25, $0xb8;
	[tilespmem:$0x1A380] =	vst v63  }
0x93: {  	s26 =	smin.u32 s6, $0x43;
	_ =	swait.ge [sflag:s24], $0x4000  }
0x94: {  	s22 =	sshll.u32 s26, $0x7;
	s21 =	rddreg [dreg:$0x9]  }
0x95: {  	s21 =	sadd.s32 s22, s21  }
0x96: {  	[sflag:s24] =	ssyncset.done $0x0;
	s22 =	sshrl.u32 s21, $0x3  }
0x97: {  	[sflag:s24] =	ssyncadd.s32 $0xFFFFC000;
	s21 =	sshll.u32 s21, $0x4;
	s22 =	sadd.s32 s2, s22  }
0x98: {  	[tilespmem:s0], [sflag:$0x5] =	stream.linear.gather [hbm4b:s22+s5], $0x80, $0x38;
	[tilespmem:$0x1A380] =	vst v63  }
0x99: {  	s21 =	sadd.s32 s1, s21  }
0x9a: {  	[tilespmem:s4], [sflag:$0xB] =	stream.linear.gather [hbm4b:s21+s5], $0x4000, $0x38;
	[tilespmem:$0x1A380] =	vst v63  }
0x9b: {  	_ =	swait.ge [sflag:s19], $0x80  }
0x9c: {  	[sflag:s19] =	ssyncset.done $0x0  }
0x9d: {  	[sflag:s19] =	ssyncadd.s32 $0xFFFFFF80  }
0x9e: {  	_ =	swait.ge [sflag:s20], $0x4000  }
0x9f: {  	[sflag:s20] =	ssyncset.done $0x0  }
0xa0: {  	[sflag:s20] =	ssyncadd.s32 $0xFFFFC000  }
0xa1: {  	[spmem:s3] =	stream.indirect.scatter.add.f32 [tilespmem:s8], [sflag:$0xD], $0x80, s7, s25, $0xb8;
	[tilespmem:$0x1A380] =	vst v63  }
0xa2: {  	s6 =	smin.u32 s6, $0x42;
	_ =	swait.ge [sflag:s24], $0x4000  }
0xa3: {  	s6 =	sshll.u32 s6, $0x7;
	s26 =	rddreg [dreg:$0xa]  }
0xa4: {  	s6 =	sadd.s32 s6, s26  }
0xa5: {  	[sflag:s24] =	ssyncset.done $0x0;
	s21 =	sshrl.u32 s6, $0x3  }
0xa6: {  	[sflag:s24] =	ssyncadd.s32 $0xFFFFC000;
	s6 =	sshll.u32 s6, $0x4;
	s21 =	sadd.s32 s2, s21  }
0xa7: {  	[tilespmem:s7], [sflag:$0x6] =	stream.linear.gather [hbm4b:s21+s5], $0x80, $0x38;
	[tilespmem:$0x1A380] =	vst v63  }
0xa8: {  	s6 =	sadd.s32 s1, s6;
	s21 =	simm.s32 $0x6  }
.LBB2_4:
0xa9: {  	[tilespmem:s8], [sflag:$0xC] =	stream.linear.gather [hbm4b:s6+s5], $0x4000, $0x38;
	[tilespmem:$0x1A380] =	vst v63  }
0xaa: {  	_ =	swait.ge [sflag:s9], $0x80  }
0xab: {  	[sflag:s9] =	ssyncset.done $0x0  }
0xac: {  	[sflag:s9] =	ssyncadd.s32 $0xFFFFFF80  }
0xad: {  	_ =	swait.ge [sflag:s10], $0x4000  }
0xae: {  	[sflag:s10] =	ssyncset.done $0x0  }
0xaf: {  	s6 =	smov.u32 s21;
	[sflag:s10] =	ssyncadd.s32 $0xFFFFC000  }
0xb0: {  	[spmem:s3] =	stream.indirect.scatter.add.f32 [tilespmem:s23], [sflag:$0xD], $0x80, s5, s25, $0xb8;
	[tilespmem:$0x1A380] =	vst v63  }
0xb1: {  	s23 =	smin.u32 s6, $0x47;
	_ =	swait.ge [sflag:s24], $0x4000  }
0xb2: {  	s23 =	sshll.u32 s23, $0x7;
	s22 =	rddreg [dreg:$0x5]  }
0xb3: {  	s22 =	sadd.s32 s23, s22  }
0xb4: {  	[sflag:s24] =	ssyncset.done $0x0;
	s23 =	sshrl.u32 s22, $0x3  }
0xb5: {  	[sflag:s24] =	ssyncadd.s32 $0xFFFFC000;
	s22 =	sshll.u32 s22, $0x4;
	s23 =	sadd.s32 s2, s23  }
0xb6: {  	[tilespmem:s5], [sflag:$0x1] =	stream.linear.gather [hbm4b:s23+s5], $0x80, $0x38;
	[tilespmem:$0x1A380] =	vst v63  }
0xb7: {  	s26 =	simm.s32 $0x300;
	s22 =	sadd.s32 s1, s22  }
0xb8: {  	[tilespmem:s26], [sflag:$0x7] =	stream.linear.gather [hbm4b:s22+s5], $0x4000, $0x38;
	[tilespmem:$0x1A380] =	vst v63  }
0xb9: {  	_ =	swait.ge [sflag:s11], $0x80  }
0xba: {  	[sflag:s11] =	ssyncset.done $0x0  }
0xbb: {  	[sflag:s11] =	ssyncadd.s32 $0xFFFFFF80  }
0xbc: {  	_ =	swait.ge [sflag:s12], $0x4000  }
0xbd: {  	[sflag:s12] =	ssyncset.done $0x0  }
0xbe: {  	s26 =	simm.s32 $0x4300;
	[sflag:s12] =	ssyncadd.s32 $0xFFFFC000  }
0xbf: {  	[spmem:s3] =	stream.indirect.scatter.add.f32 [tilespmem:s26], [sflag:$0xD], $0x80, s25, s25, $0xb8;
	[tilespmem:$0x1A380] =	vst v63  }
0xc0: {  	s23 =	smin.u32 s6, $0x46;
	_ =	swait.ge [sflag:s24], $0x4000  }
0xc1: {  	s23 =	sshll.u32 s23, $0x7;
	s22 =	rddreg [dreg:$0x6]  }
0xc2: {  	s22 =	sadd.s32 s23, s22  }
0xc3: {  	[sflag:s24] =	ssyncset.done $0x0;
	s23 =	sshrl.u32 s22, $0x3  }
0xc4: {  	[sflag:s24] =	ssyncadd.s32 $0xFFFFC000;
	s22 =	sshll.u32 s22, $0x4;
	s23 =	sadd.s32 s2, s23  }
0xc5: {  	[tilespmem:s25], [sflag:$0x2] =	stream.linear.gather [hbm4b:s23+s5], $0x80, $0x38;
	[tilespmem:$0x1A380] =	vst v63  }
0xc6: {  	s22 =	sadd.s32 s1, s22  }
0xc7: {  	[tilespmem:s26], [sflag:$0x8] =	stream.linear.gather [hbm4b:s22+s5], $0x4000, $0x38;
	[tilespmem:$0x1A380] =	vst v63  }
0xc8: {  	_ =	swait.ge [sflag:s13], $0x80  }
0xc9: {  	[sflag:s13] =	ssyncset.done $0x0  }
0xca: {  	[sflag:s13] =	ssyncadd.s32 $0xFFFFFF80  }
0xcb: {  	_ =	swait.ge [sflag:s14], $0x4000  }
0xcc: {  	[sflag:s14] =	ssyncset.done $0x0  }
0xcd: {  	[sflag:s14] =	ssyncadd.s32 $0xFFFFC000  }
0xce: {  	[spmem:s3] =	stream.indirect.scatter.add.f32 [tilespmem:s29], [sflag:$0xD], $0x80, s28, s25, $0xb8;
	[tilespmem:$0x1A380] =	vst v63  }
0xcf: {  	s23 =	smin.u32 s6, $0x45;
	_ =	swait.ge [sflag:s24], $0x4000  }
0xd0: {  	s23 =	sshll.u32 s23, $0x7;
	s22 =	rddreg [dreg:$0x7]  }
0xd1: {  	s22 =	sadd.s32 s23, s22  }
0xd2: {  	[sflag:s24] =	ssyncset.done $0x0;
	s23 =	sshrl.u32 s22, $0x3  }
0xd3: {  	[sflag:s24] =	ssyncadd.s32 $0xFFFFC000;
	s22 =	sshll.u32 s22, $0x4;
	s23 =	sadd.s32 s2, s23  }
0xd4: {  	[tilespmem:s28], [sflag:$0x3] =	stream.linear.gather [hbm4b:s23+s5], $0x80, $0x38;
	[tilespmem:$0x1A380] =	vst v63  }
0xd5: {  	s22 =	sadd.s32 s1, s22  }
0xd6: {  	[tilespmem:s29], [sflag:$0x9] =	stream.linear.gather [hbm4b:s22+s5], $0x4000, $0x38;
	[tilespmem:$0x1A380] =	vst v63  }
0xd7: {  	_ =	swait.ge [sflag:s15], $0x80  }
0xd8: {  	[sflag:s15] =	ssyncset.done $0x0  }
0xd9: {  	[sflag:s15] =	ssyncadd.s32 $0xFFFFFF80  }
0xda: {  	_ =	swait.ge [sflag:s16], $0x4000  }
0xdb: {  	[sflag:s16] =	ssyncset.done $0x0  }
0xdc: {  	[sflag:s16] =	ssyncadd.s32 $0xFFFFC000  }
0xdd: {  	[spmem:s3] =	stream.indirect.scatter.add.f32 [tilespmem:s31], [sflag:$0xD], $0x80, s30, s25, $0xb8;
	[tilespmem:$0x1A380] =	vst v63  }
0xde: {  	s23 =	smin.u32 s6, $0x44;
	_ =	swait.ge [sflag:s24], $0x4000  }
0xdf: {  	s23 =	sshll.u32 s23, $0x7;
	s22 =	rddreg [dreg:$0x8]  }
0xe0: {  	s22 =	sadd.s32 s23, s22  }
0xe1: {  	[sflag:s24] =	ssyncset.done $0x0;
	s23 =	sshrl.u32 s22, $0x3  }
0xe2: {  	[sflag:s24] =	ssyncadd.s32 $0xFFFFC000;
	s22 =	sshll.u32 s22, $0x4;
	s23 =	sadd.s32 s2, s23  }
0xe3: {  	[tilespmem:s30], [sflag:$0x4] =	stream.linear.gather [hbm4b:s23+s5], $0x80, $0x38;
	[tilespmem:$0x1A380] =	vst v63  }
0xe4: {  	s22 =	sadd.s32 s1, s22  }
0xe5: {  	[tilespmem:s31], [sflag:$0xA] =	stream.linear.gather [hbm4b:s22+s5], $0x4000, $0x38;
	[tilespmem:$0x1A380] =	vst v63  }
0xe6: {  	_ =	swait.ge [sflag:s17], $0x80  }
0xe7: {  	[sflag:s17] =	ssyncset.done $0x0  }
0xe8: {  	[sflag:s17] =	ssyncadd.s32 $0xFFFFFF80  }
0xe9: {  	_ =	swait.ge [sflag:s18], $0x4000  }
0xea: {  	[sflag:s18] =	ssyncset.done $0x0  }
0xeb: {  	[sflag:s18] =	ssyncadd.s32 $0xFFFFC000  }
0xec: {  	[spmem:s3] =	stream.indirect.scatter.add.f32 [tilespmem:s4], [sflag:$0xD], $0x80, s0, s25, $0xb8;
	[tilespmem:$0x1A380] =	vst v63  }
0xed: {  	s23 =	smin.u32 s6, $0x43;
	_ =	swait.ge [sflag:s24], $0x4000  }
0xee: {  	s23 =	sshll.u32 s23, $0x7;
	s22 =	rddreg [dreg:$0x9]  }
0xef: {  	s22 =	sadd.s32 s23, s22  }
0xf0: {  	[sflag:s24] =	ssyncset.done $0x0;
	s23 =	sshrl.u32 s22, $0x3  }
0xf1: {  	[sflag:s24] =	ssyncadd.s32 $0xFFFFC000;
	s22 =	sshll.u32 s22, $0x4;
	s23 =	sadd.s32 s2, s23  }
0xf2: {  	[tilespmem:s0], [sflag:$0x5] =	stream.linear.gather [hbm4b:s23+s5], $0x80, $0x38;
	[tilespmem:$0x1A380] =	vst v63  }
0xf3: {  	s22 =	sadd.s32 s1, s22  }
0xf4: {  	[tilespmem:s4], [sflag:$0xB] =	stream.linear.gather [hbm4b:s22+s5], $0x4000, $0x38;
	[tilespmem:$0x1A380] =	vst v63  }
0xf5: {  	_ =	swait.ge [sflag:s19], $0x80  }
0xf6: {  	[sflag:s19] =	ssyncset.done $0x0  }
0xf7: {  	[sflag:s19] =	ssyncadd.s32 $0xFFFFFF80  }
0xf8: {  	_ =	swait.ge [sflag:s20], $0x4000  }
0xf9: {  	[sflag:s20] =	ssyncset.done $0x0  }
0xfa: {  	[sflag:s20] =	ssyncadd.s32 $0xFFFFC000  }
0xfb: {  	[spmem:s3] =	stream.indirect.scatter.add.f32 [tilespmem:s8], [sflag:$0xD], $0x80, s7, s25, $0xb8;
	[tilespmem:$0x1A380] =	vst v63  }
0xfc: {  	p0 =	sne.s32 s21, $0x48;
	s6 =	smin.u32 s6, $0x42;
	_ =	swait.ge [sflag:s24], $0x4000  }
.Ltmp1:
0xfd: {  	s6 =	sshll.u32 s6, $0x7;
	s22 =	rddreg [dreg:$0xa];
	(pc) =	sbr.rel @p0 .LBB2_4-.Ltmp1, $4  }
0xfe: {  	s21 =	sadd.s32 $0x6, s21;
	s23 =	simm.s32 $0x300;
	s6 =	sadd.s32 s6, s22  }
0xff: {  	[sflag:s24] =	ssyncset.done $0x0;
	s22 =	sshrl.u32 s6, $0x3;
	s6 =	sshll.u32 s6, $0x4  }
0x100: {  	[sflag:s24] =	ssyncadd.s32 $0xFFFFC000;
	s22 =	sadd.s32 s2, s22;
	s6 =	sadd.s32 s1, s6  }
0x101: {  	[tilespmem:s7], [sflag:$0x6] =	stream.linear.gather [hbm4b:s22+s5], $0x80, $0x38;
	[tilespmem:$0x1A380] =	vst v63  }
0x102: {  	[tilespmem:s8], [sflag:$0xC] =	stream.linear.gather [hbm4b:s6+s5], $0x4000, $0x38;
	[tilespmem:$0x1A380] =	vst v63  }
0x103: {  	_ =	swait.ge [sflag:s9], $0x80  }
0x104: {  	[sflag:s9] =	ssyncset.done $0x0  }
0x105: {  	[sflag:s9] =	ssyncadd.s32 $0xFFFFFF80  }
0x106: {  	_ =	swait.ge [sflag:s10], $0x4000  }
0x107: {  	[sflag:s10] =	ssyncset.done $0x0  }
0x108: {  	[sflag:s10] =	ssyncadd.s32 $0xFFFFC000  }
0x109: {  	_ =	swait.ge [sflag:s11], $0x80  }
0x10a: {  	[sflag:s11] =	ssyncset.done $0x0  }
0x10b: {  	[sflag:s11] =	ssyncadd.s32 $0xFFFFFF80  }
0x10c: {  	_ =	swait.ge [sflag:s12], $0x4000  }
0x10d: {  	[sflag:s12] =	ssyncset.done $0x0  }
0x10e: {  	[sflag:s12] =	ssyncadd.s32 $0xFFFFC000  }
0x10f: {  	_ =	swait.ge [sflag:s13], $0x80  }
0x110: {  	[sflag:s13] =	ssyncset.done $0x0  }
0x111: {  	[sflag:s13] =	ssyncadd.s32 $0xFFFFFF80  }
0x112: {  	_ =	swait.ge [sflag:s14], $0x4000  }
0x113: {  	[sflag:s14] =	ssyncset.done $0x0  }
0x114: {  	[sflag:s14] =	ssyncadd.s32 $0xFFFFC000  }
0x115: {  	_ =	swait.ge [sflag:s15], $0x80  }
0x116: {  	[sflag:s15] =	ssyncset.done $0x0  }
0x117: {  	[sflag:s15] =	ssyncadd.s32 $0xFFFFFF80  }
0x118: {  	_ =	swait.ge [sflag:s16], $0x4000  }
0x119: {  	[sflag:s16] =	ssyncset.done $0x0  }
0x11a: {  	[sflag:s16] =	ssyncadd.s32 $0xFFFFC000  }
0x11b: {  	_ =	swait.ge [sflag:s17], $0x80  }
0x11c: {  	[sflag:s17] =	ssyncset.done $0x0  }
0x11d: {  	[sflag:s17] =	ssyncadd.s32 $0xFFFFFF80  }
0x11e: {  	_ =	swait.ge [sflag:s18], $0x4000  }
0x11f: {  	[sflag:s18] =	ssyncset.done $0x0  }
0x120: {  	[sflag:s18] =	ssyncadd.s32 $0xFFFFC000  }
0x121: {  	_ =	swait.ge [sflag:s19], $0x80  }
0x122: {  	[sflag:s19] =	ssyncset.done $0x0  }
0x123: {  	[sflag:s19] =	ssyncadd.s32 $0xFFFFFF80  }
0x124: {  	_ =	swait.ge [sflag:s20], $0x4000  }
0x125: {  	[sflag:s20] =	ssyncset.done $0x0  }
0x126: {  	s21 =	simm.s32 $0x18300;
	s22 =	rddreg [dreg:$0x18];
	[sflag:s20] =	ssyncadd.s32 $0xFFFFC000  }
0x127: {  	[tilespmem:s21], [sflag:$0xD] =	stream.linear.gather [hbm4b:s22+s5], $0x10, $0x38;
	[tilespmem:$0x1A380] =	vst v63  }
0x128: {  	_ =	swait.ge [sflag:s24], $0x10  }
0x129: {  	[sflag:s24] =	ssyncset.done $0x0  }
0x12a: {  	s22 =	rddreg [dreg:$0x19];
	[sflag:s24] =	ssyncadd.s32 $0xFFFFFFF0  }
0x12b: {  	[tilespmem:s23], [sflag:$0xD] =	stream.linear.gather [hbm4b:s22+s5], $0x800, $0x38;
	[tilespmem:$0x1A380] =	vst v63  }
0x12c: {  	_ =	swait.ge [sflag:s24], $0x800  }
0x12d: {  	[sflag:s24] =	ssyncset.done $0x0  }
0x12e: {  	s22 =	simm.s32 $0x10;
	[sflag:s24] =	ssyncadd.s32 $0xFFFFF800  }
0x12f: {  	[spmem:s3] =	stream.indirect.scatter.add.f32 [tilespmem:s23], [sflag:$0xD], $0x80, s21, s22, $0xb8;
	[tilespmem:$0x1A380] =	vst v63  }
0x130: {  	_ =	swait.ge [sflag:s24], $0x800  }
0x131: {  	[sflag:s24] =	ssyncset.done $0x0  }
0x132: {  	[sflag:s24] =	ssyncadd.s32 $0xFFFFF800  }
0x133: {  	s22 =	stileid.u32;
	[bflag:$0x0] =	sbarrier.arrive $0xFFFF  }
0x134: {  	s6 =	sshll.u32 s22, $0x6;
	s23 =	rddreg [dreg:$0xb]  }
0x135: {  	s6 =	sor.u32 $0x1C0D, s6;
	s22 =	rddreg [dreg:$0x1a];
	s21 =	sshrl.u32 s23, $0x3  }
0x136: {  	[hbm:s22], [sflag:s6] =	dma.local [spmem:s21], $0x400  }
0x137: {  	_ =	swait.ge [sflag:s24], $0x400  }
0x138: {  	s22 =	rddreg [dreg:$0x1c]  }
0x139: {  	s23 =	rddreg [dreg:$0x1b];
	s21 =	sadd.s32 $0x1, s22  }
0x13a: {  	p0 =	sne.s32 s21, s23  }
.Ltmp2:
0x13b: {  	_ = 	snop;
	(pc) =	sbr.rel @p0 .LBB2_1-.Ltmp2, $3  }
0x13c: {  	_ =	sdelay $0x1  }
0x13d: {  	[sflag:s24] =	ssyncset.done $0x0  }
0x13e: {  	[sflag:s24] =	ssyncadd.s32 $0xFFFFFC00  }
0x13f: {  	_ =	sfence.sel $0x180000  }
0x140: {  	[bflag:$0x0] =	sbarrier.arrive $0xFFFF  }
0x141: {  	_ =	strace $0x90000047  }
0x142: {  	s0 =	stileid.u32;
	[bflag:$0x2] =	sbarrier.arrive $0xFFFF  }
0x143: {  	p0 =	sne.s32 s0, $0x0;
	s0 =	rddreg [dreg:$0x4]  }
0x144: {  	s0 =	sadd.s32 @!p0 $0x100000, s0  }
0x145: {  	[sflag:s0] =	ssyncadd.tile.s32 @!p0 $0x1;
	_ =	shalt  }
.Lfunc_end2:
_tile_overlayer_lowered:
.L_overlay_start_2:
0x146: {  	(tag) =	ssettag $0x2  }
0x147: {  	s0 =	rddreg [dreg:$0x0];
	s2 =	stileid.u32  }
0x148: {  	s1 =	rddreg [dreg:$0x1];
	p0 =	sne.s32 s2, $0x0  }
0x149: {  	s3 =	rddreg [dreg:$0x2];
	[bflag:$0x3] =	sbarrier.arrive $0xFFFF;
	s2 =	simm.s32 @!p0 $0x1C0D  }
0x14a: {  	[timem:s3], [sflag:s2] =	dma.local @!p0 [hbm:s0], s1  }
0x14b: {  	s0 =	simm.s32 @!p0 $0xD  }
0x14c: {  	_ =	swait.ge @!p0 [sflag:s0], s1  }
0x14d: {  	s1 =	ssub.s32 @!p0 $0x0, s1;
	[sflag:s0] =	ssyncset.done @!p0 $0x0  }
0x14e: {  	[sflag:s0] =	ssyncadd.s32 @!p0 s1  }
0x14f: {  	[bflag:$0x3] =	sbarrier.arrive $0xFFFF  }
0x150: {  	_ =	shalt  }

</sc_bundles>
